<compile_context>
chip_gen: v7x
topology: tpu7x:2x2x1
jax: 0.10.2.dev20260603
libtpu: 0.0.44.dev20260713+nightly
codegen_flags: <defaults>
</compile_context>

<pallas_src>
import functools
import jax
import jax.numpy as jnp
from jax import lax
from jax.experimental import pallas as pl
from jax.experimental.pallas import tpu as pltpu
from jax.experimental.pallas import tpu_sc as plsc

_EPS = 1e-5
_MAX_NB = 64


def _fps_body(n_pts, n_samp, px_ref, py_ref, pz_ref, sel_ref, qx_ref, qy_ref,
              qz_ref):
    px = px_ref[...]
    py = py_ref[...]
    pz = pz_ref[...]
    nb = px.shape[0]
    lane = jax.lax.broadcasted_iota(jnp.int32, (nb, n_pts), 1)
    lane_q = jax.lax.broadcasted_iota(jnp.int32, (nb, n_samp), 1)

    def step(i, carry):
        last, dist, sel, qx, qy, qz = carry
        is_last = lane == last
        lx = jnp.sum(jnp.where(is_last, px, 0.0), axis=1, keepdims=True)
        ly = jnp.sum(jnp.where(is_last, py, 0.0), axis=1, keepdims=True)
        lz = jnp.sum(jnp.where(is_last, pz, 0.0), axis=1, keepdims=True)
        rec = lane_q == i
        qx = jnp.where(rec, lx, qx)
        qy = jnp.where(rec, ly, qy)
        qz = jnp.where(rec, lz, qz)
        d = (px - lx) ** 2 + (py - ly) ** 2 + (pz - lz) ** 2
        dist = jnp.minimum(dist, d)
        m = jnp.max(dist, axis=1, keepdims=True)
        nxt = jnp.min(jnp.where(dist >= m, lane, 2 ** 30), axis=1,
                      keepdims=True)
        sel = jnp.where(lane_q == i + 1, nxt, sel)
        return nxt, dist, sel, qx, qy, qz

    init = (jnp.zeros((nb, 1), jnp.int32),
            jnp.full((nb, n_pts), jnp.inf, jnp.float32),
            jnp.zeros((nb, n_samp), jnp.int32),
            jnp.zeros((nb, n_samp), jnp.float32),
            jnp.zeros((nb, n_samp), jnp.float32),
            jnp.zeros((nb, n_samp), jnp.float32))
    _, _, sel, qx, qy, qz = jax.lax.fori_loop(0, n_samp, step, init)
    sel_ref[...] = sel
    qx_ref[...] = qx
    qy_ref[...] = qy
    qz_ref[...] = qz


def _fps(px, py, pz, n_samp):
    nb, n_pts = px.shape
    out = (jax.ShapeDtypeStruct((nb, n_samp), jnp.int32),
           jax.ShapeDtypeStruct((nb, n_samp), jnp.float32),
           jax.ShapeDtypeStruct((nb, n_samp), jnp.float32),
           jax.ShapeDtypeStruct((nb, n_samp), jnp.float32))
    return pl.pallas_call(
        functools.partial(_fps_body, n_pts, n_samp),
        out_shape=out,
    )(px, py, pz)


def _u_body(x_ref, p_ref, wx_ref, wp_ref, o_ref):
    x = x_ref[...]
    p = p_ref[...]
    u = jnp.dot(x, wx_ref[...], preferred_element_type=jnp.float32)
    u += jnp.dot(p, wp_ref[...], preferred_element_type=jnp.float32)
    o_ref[...] = u


def _compute_u(x2d, p2d, wx, wp):
    n = x2d.shape[0]
    d = wx.shape[1]
    return pl.pallas_call(
        _u_body,
        out_shape=jax.ShapeDtypeStruct((n, d), jnp.float32),
    )(x2d, p2d, wx, wp)


def _max_mid(m3):
    k = m3.shape[1]
    while k > 1:
        h = k // 2
        m3 = jnp.maximum(m3[:, :h, :], m3[:, h:, :])
        k = h
    return m3[:, 0, :]


def _pair_body(qb, d1, g_ref, posq_ref, maskf_ref, wp_ref, b1_ref, w2_ref,
               b2_ref, w3_ref, b3_ref, o_ref):
    k = _MAX_NB
    dpad = g_ref.shape[2]
    posq = posq_ref[0]
    c = b1_ref[...] - jnp.dot(posq, wp_ref[...],
                              preferred_element_type=jnp.float32)
    g = g_ref[0].reshape(qb, k, dpad)
    if dpad != d1:
        g = g[:, :, :d1]
    a1 = jnp.maximum(g + c[:, None, :], 0.0)
    a1 = a1.reshape(qb * k, d1)
    a2 = jnp.dot(a1, w2_ref[...], preferred_element_type=jnp.float32)
    a2 = jnp.maximum(a2 + b2_ref[...], 0.0)
    m = jnp.dot(a2, w3_ref[...], preferred_element_type=jnp.float32)
    m = m + b3_ref[...]
    dout = m.shape[1]
    m = m.reshape(qb, k, dout) + maskf_ref[0][:, :, None]
    o_ref[0] = _max_mid(m)


def _pair_mlp(g, posq, maskf, wp, b1, w2, b2, w3, b3, qb):
    nb, q, _ = posq.shape
    k = _MAX_NB
    dpad = g.shape[2]
    d1 = w2.shape[0]
    dh = w2.shape[1]
    dout = w3.shape[1]
    grid = (nb, q // qb)
    return pl.pallas_call(
        functools.partial(_pair_body, qb, d1),
        grid=grid,
        in_specs=[
            pl.BlockSpec((1, qb * k, dpad), lambda b, t: (b, t, 0)),
            pl.BlockSpec((1, qb, 3), lambda b, t: (b, t, 0)),
            pl.BlockSpec((1, qb, k), lambda b, t: (b, t, 0)),
            pl.BlockSpec((3, d1), lambda b, t: (0, 0)),
            pl.BlockSpec((1, d1), lambda b, t: (0, 0)),
            pl.BlockSpec((d1, dh), lambda b, t: (0, 0)),
            pl.BlockSpec((1, dh), lambda b, t: (0, 0)),
            pl.BlockSpec((dh, dout), lambda b, t: (0, 0)),
            pl.BlockSpec((1, dout), lambda b, t: (0, 0)),
        ],
        out_specs=pl.BlockSpec((1, qb, dout), lambda b, t: (b, t, 0)),
        out_shape=jax.ShapeDtypeStruct((nb, q, dout), jnp.float32),
    )(g, posq, maskf, wp, b1, w2, b2, w3, b3)


def _sa3_body(n_cloud, q, x_ref, p_ref, w0x_ref, w0p_ref, b0_ref, w1_ref,
              b1_ref, w2_ref, b2_ref, h0_ref, hb0_ref, h1_ref, hb1_ref,
              h2_ref, hb2_ref, o_ref):
    x = x_ref[...]
    p = p_ref[...]
    h = jnp.dot(x, w0x_ref[...], preferred_element_type=jnp.float32)
    h += jnp.dot(p, w0p_ref[...], preferred_element_type=jnp.float32)
    h = jnp.maximum(h + b0_ref[...], 0.0)
    h = jnp.dot(h, w1_ref[...], preferred_element_type=jnp.float32)
    h = jnp.maximum(h + b1_ref[...], 0.0)
    h = jnp.dot(h, w2_ref[...], preferred_element_type=jnp.float32)
    h = h + b2_ref[...]
    h = h.reshape(n_cloud, q, h.shape[1])
    g = _max_mid(h)
    g = jnp.dot(g, h0_ref[...], preferred_element_type=jnp.float32)
    g = jnp.maximum(g + hb0_ref[...], 0.0)
    g = jnp.dot(g, h1_ref[...], preferred_element_type=jnp.float32)
    g = jnp.maximum(g + hb1_ref[...], 0.0)
    g = jnp.dot(g, h2_ref[...], preferred_element_type=jnp.float32)
    g = g + hb2_ref[...]
    mx = jnp.max(g, axis=1, keepdims=True)
    lse = jnp.log(jnp.sum(jnp.exp(g - mx), axis=1, keepdims=True)) + mx
    o_ref[...] = g - lse


def _sa3_head(x2d, p2d, n_cloud, q, args):
    ncls = args[-1].shape[1]
    return pl.pallas_call(
        functools.partial(_sa3_body, n_cloud, q),
        out_shape=jax.ShapeDtypeStruct((n_cloud, ncls), jnp.float32),
    )(x2d, p2d, *args)


def _fold_norm(params):
    s = (1.0 + _EPS) ** 0.5
    ws, bs = [], []
    n = len(params["W"])
    for i in range(n):
        w, b = params["W"][i], params["b"][i]
        if i < n - 1:
            g, beta = params["g"][i], params["beta"][i]
            ws.append(w * (g / s)[None, :])
            bs.append(b * g / s + beta)
        else:
            ws.append(w)
            bs.append(b)
    return ws, bs


def _select_neighbors(posq, px, py, pz, r):
    d2 = ((posq[:, :, 0:1] - px[:, None, :]) ** 2
          + (posq[:, :, 1:2] - py[:, None, :]) ** 2
          + (posq[:, :, 2:3] - pz[:, None, :]) ** 2)
    score = jnp.where(d2 <= r * r, -d2, -jnp.inf)
    vals, idx = jax.lax.top_k(score, _MAX_NB)
    maskf = jnp.where(vals > -jnp.inf, 0.0, -jnp.inf).astype(jnp.float32)
    return idx.astype(jnp.int32), maskf


def _sc_gather(u_flat, idx_flat, d):
    tot = idx_flat.shape[0]
    info = plsc.get_sparse_core_info()
    nw = info.num_cores * info.num_subcores
    rows_w = tot // nw
    ch = 512
    n_chunk = rows_w // ch
    mesh = plsc.VectorSubcoreMesh(core_axis_name="c", subcore_axis_name="s")

    @functools.partial(
        pl.kernel, mesh=mesh,
        out_type=jax.ShapeDtypeStruct((tot, d), jnp.float32),
        scratch_types=[
            pltpu.VMEM((ch,), jnp.int32),
            pltpu.VMEM((ch, d), jnp.float32),
            pltpu.SemaphoreType.DMA,
        ],
    )
    def gather_k(u_hbm, idx_hbm, out_hbm, idx_v, rows_v, sem):
        wid = lax.axis_index("s") * info.num_cores + lax.axis_index("c")
        base = wid * rows_w

        def chunk(ci, carry):
            off = base + ci * ch
            pltpu.sync_copy(idx_hbm.at[pl.ds(off, ch)], idx_v)
            pltpu.async_copy(u_hbm.at[idx_v], rows_v, sem).wait()
            pltpu.sync_copy(rows_v, out_hbm.at[pl.ds(off, ch)])
            return carry

        lax.fori_loop(0, n_chunk, chunk, 0)

    return gather_k(u_flat, idx_flat)


def _gather_pairs(u, idx):
    nb, q, k = idx.shape
    n, d = u.shape[1], u.shape[2]
    gbase = jnp.arange(nb, dtype=jnp.int32)[:, None, None] * n
    flat = (idx + gbase).reshape(nb * q * k)
    out = _sc_gather(u.reshape(nb * n, d), flat, d)
    return out.reshape(nb, q * k, d)


def _sa_stage(xb, posb, px, py, pz, params, ratio, r, qb):
    nb, n_pts, fdim = xb.shape
    n_samp = int(n_pts * ratio)
    ws, bs = _fold_norm(params)
    w1, w2, w3 = ws
    b1, b2, b3 = bs
    d1 = w1.shape[1]

    sel, qx, qy, qz = _fps(px, py, pz, n_samp)
    posq = jnp.stack([qx, qy, qz], axis=-1)

    u = _compute_u(xb.reshape(nb * n_pts, fdim),
                   posb.reshape(nb * n_pts, 3),
                   w1[:fdim], w1[fdim:]).reshape(nb, n_pts, d1)
    if d1 < 128:
        u = jnp.pad(u, ((0, 0), (0, 0), (0, 128 - d1)))

    idx, maskf = _select_neighbors(posq, px, py, pz, r)
    g = _gather_pairs(u, idx)

    x_out = _pair_mlp(g, posq, maskf, w1[fdim:], b1[None, :], w2,
                      b2[None, :], w3, b3[None, :], qb)
    return x_out, posq, qx, qy, qz


def kernel(x, pos, batch, params):
    nb = batch.shape[0] // 1024
    n_pts = 1024
    xb = x.reshape(nb, n_pts, -1)
    pb = pos.reshape(nb, n_pts, 3)
    px = pb[:, :, 0]
    py = pb[:, :, 1]
    pz = pb[:, :, 2]

    x1, posq1, q1x, q1y, q1z = _sa_stage(xb, pb, px, py, pz, params["sa1"],
                                         0.5, 0.2, 128)
    x2, posq2, _, _, _ = _sa_stage(x1, posq1, q1x, q1y, q1z, params["sa2"],
                                   0.25, 0.4, 128)

    ws, bs = _fold_norm(params["sa3"])
    hw, hb = _fold_norm(params["head"])
    q2 = x2.shape[1]
    f2 = x2.shape[2]
    args = (ws[0][:f2], ws[0][f2:], bs[0][None, :], ws[1], bs[1][None, :],
            ws[2], bs[2][None, :], hw[0], hb[0][None, :], hw[1],
            hb[1][None, :], hw[2], hb[2][None, :])
    return _sa3_head(x2.reshape(nb * q2, f2), posq2.reshape(nb * q2, 3),
                     nb, q2, args)

# --- scband reference (transcript-rebuilt; emitter-appended) ---
"""Pipeline reference for scband-point-net-21483426414945 (READ-ONLY COPY).

The authoritative reference and input builder live on the scoring server;
editing this copy changes nothing except your own understanding.
"""

import jax, jax.numpy as jnp
import numpy as np

B = 16
P = 1024
IN_F = 3
POS_D = 3
NUM_CLASSES = 40
EPS = 1e-5
MAX_NB = 64


def make_mlp(key, dims):
    Ws, bs, gs, betas = [], [], [], []
    for i in range(len(dims) - 1):
        key, k1 = jax.random.split(key)
        Ws.append(jax.random.normal(k1, (dims[i], dims[i + 1]), jnp.float32) * (1.0 / np.sqrt(dims[i])))
        bs.append(jnp.zeros((dims[i + 1],), jnp.float32))
        gs.append(jnp.ones((dims[i + 1],), jnp.float32))
        betas.append(jnp.zeros((dims[i + 1],), jnp.float32))
    return {"W": Ws, "b": bs, "g": gs, "beta": betas}


def apply_mlp(p, x, norm=True):
    # torch_geometric MLP, eval mode: lin -> batchnorm(running stats: mean 0, var 1) -> relu,
    # plain last layer (no norm/act), dropout inactive in eval.
    n = len(p["W"])
    for i in range(n):
        x = x @ p["W"][i] + p["b"][i]
        if i < n - 1:
            if norm:
                x = p["g"][i] * x / np.sqrt(1.0 + EPS) + p["beta"][i]
            x = jax.nn.relu(x)
    return x


def fps(pos, n_sample):
    # farthest point sampling, deterministic start at index 0
    Pn = pos.shape[0]
    sel0 = jnp.zeros((n_sample,), jnp.int32)
    dist0 = jnp.full((Pn,), jnp.inf, jnp.float32)

    def body(i, state):
        sel, dist = state
        last = sel[i]
        d = jnp.sum((pos - pos[last]) ** 2, axis=-1)
        dist = jnp.minimum(dist, d)
        nxt = jnp.argmax(dist).astype(jnp.int32)
        sel = sel.at[i + 1].set(nxt)
        return (sel, dist)

    sel, _ = jax.lax.fori_loop(0, n_sample - 1, body, (sel0, dist0))
    return sel


def radius_neighbors(pos_all, pos_q, r, k):
    # up to k nearest neighbors within radius r (dense masked form)
    d2 = jnp.sum((pos_q[:, None, :] - pos_all[None, :, :]) ** 2, axis=-1)
    valid = d2 <= r * r
    score = jnp.where(valid, -d2, -jnp.inf)
    vals, idx = jax.lax.top_k(score, k)
    mask = vals > -jnp.inf
    return idx, mask


def sa_module(x, pos, params, ratio, r):
    # SAModule: fps -> radius graph -> PointNetConv (msg = nn([x_j, pos_j - pos_i]), max aggr)
    Pn = pos.shape[1]
    Q = int(Pn * ratio)

    def single(xc, posc):
        posc_sg = jax.lax.stop_gradient(posc)
        sel = fps(posc_sg, Q)
        pos_q = posc[sel]
        idx, mask = radius_neighbors(posc_sg, posc_sg[sel], r, MAX_NB)
        x_j = xc[idx]
        rel = posc[idx] - pos_q[:, None, :]
        msg = apply_mlp(params, jnp.concatenate([x_j, rel], axis=-1))
        msg = jnp.where(mask[:, :, None], msg, -jnp.inf)
        out = jnp.max(msg, axis=1)
        return out, pos_q

    return jax.vmap(single)(x, pos)


def pointnet_forward(x, pos, batch, params):
    nb = batch.shape[0] // P
    F = x.shape[-1]
    xb = x.reshape(nb, -1, F)
    pb = pos.reshape(nb, -1, POS_D)
    x1, p1 = sa_module(xb, pb, params["sa1"], 0.5, 0.2)
    x2, p2 = sa_module(x1, p1, params["sa2"], 0.25, 0.4)
    h = apply_mlp(params["sa3"], jnp.concatenate([x2, p2], axis=-1))
    g = jnp.max(h, axis=1)  # global_max_pool per cloud
    out = apply_mlp(params["head"], g, norm=False)  # MLP([1024,512,256,C], norm=None), dropout eval
    return jax.nn.log_softmax(out, axis=-1)


def setup_inputs(seed: int = 0):
    key = jax.random.key(seed)
    k1, k2, k3, k4, k5, k6 = jax.random.split(key, 6)
    x = jax.random.normal(k1, (B * P, IN_F), jnp.float32)
    pos = jax.random.uniform(k2, (B * P, POS_D), jnp.float32)
    batch = jnp.repeat(jnp.arange(B, dtype=jnp.int32), P)
    params = {
        "sa1": make_mlp(k3, [IN_F + POS_D, 64, 64, 128]),
        "sa2": make_mlp(k4, [128 + POS_D, 128, 128, 256]),
        "sa3": make_mlp(k5, [256 + POS_D, 256, 512, 1024]),
        "head": make_mlp(k6, [1024, 512, 256, NUM_CLASSES]),
    }
    return {"x": x, "pos": pos, "batch": batch, "params": params}


def reference(x, pos, batch, params):
    return pointnet_forward(x, pos, batch, params)

if __name__ == "__main__":
    import jax
    _d = setup_inputs()
    print(jax.jit(kernel)(*tuple(_d.values())))

</pallas_src>

<mosaic_0001>
#map = affine_map<(d0, d1) -> (0, 0)>
#map1 = affine_map<(d0, d1) -> (0)>
module attributes {stable_mosaic.version = 14 : i64} {
  func.func @gather_k(%arg0: i32, %arg1: i32, %arg2: memref<16384x128xf32, #tpu.memory_space<hbm>>, %arg3: memref<524288xi32, #tpu.memory_space<hbm>>, %arg4: memref<524288x128xf32, #tpu.memory_space<hbm>>, %arg5: memref<512xi32, #tpu.memory_space<vmem>>, %arg6: memref<512x128xf32, #tpu.memory_space<vmem>>, %arg7: memref<!tpu.dma_semaphore, #tpu.memory_space<semaphore_mem>>) attributes {dimension_semantics = [#tpu.dimension_semantics<core_parallel>, #tpu.dimension_semantics<subcore_parallel>], iteration_bounds = array<i64: 2, 16>, scalar_prefetch = 0 : i64, scratch_operands = 3 : i64, tpu.core_type = #tpu.core_type<sc_vector_subcore>, window_params = [{transform_indices = #map}, {transform_indices = #map1}, {transform_indices = #map}]} {
    %mul3A = arith.constant 2 : i32
    %mul3A_0 = arith.muli %arg1, %mul3A : i32
    %add3A = arith.addi %mul3A_0, %arg0 : i32
    %mul3A_1 = arith.constant 16384 : i32
    %mul3A_2 = arith.muli %add3A, %mul3A_1 : i32
    %scan3A = arith.constant 0 : i32
    %scan3A_3 = arith.constant 0 : i32
    %scan3A_4 = arith.constant 32 : i32
    %scan3A_5 = arith.addi %scan3A_3, %scan3A_4 : i32
    %scan3A_6 = arith.constant 1 : i32
    scf.for %scan3A_8 = %scan3A_3 to %scan3A_5 step %scan3A_6  : i32 {
      %mul3A_9 = arith.constant 512 : i32
      %mul3A_10 = arith.muli %scan3A_8, %mul3A_9 : i32
      %add3A_11 = arith.addi %mul3A_2, %mul3A_10 : i32
      "tpu.region"() ({
        %run_scoped3A = tpu.sem_alloc : memref<!tpu.dma_semaphore, #tpu.memory_space<semaphore_mem>>
        %dma_start3A_16 = tpu.memref_slice %arg3[%add3A_11] : memref<524288xi32, #tpu.memory_space<hbm>> -> memref<512xi32, #tpu.memory_space<hbm>>
        %dma_start3A_17 = tpu.memref_slice %arg3[%add3A_11] : memref<524288xi32, #tpu.memory_space<hbm>> -> memref<512xi32, #tpu.memory_space<hbm>>
        tpu.enqueue_dma source(%dma_start3A_17 : memref<512xi32, #tpu.memory_space<hbm>>) target(%arg5 : memref<512xi32, #tpu.memory_space<vmem>>) target_semaphore(%run_scoped3A : memref<!tpu.dma_semaphore, #tpu.memory_space<semaphore_mem>>)
        %dma_wait3A_18 = tpu.memref_slice %arg3[%add3A_11] : memref<524288xi32, #tpu.memory_space<hbm>> -> memref<512xi32, #tpu.memory_space<hbm>>
        %dma_wait3A_19 = tpu.memref_slice %arg3[%add3A_11] : memref<524288xi32, #tpu.memory_space<hbm>> -> memref<512xi32, #tpu.memory_space<hbm>>
        tpu.wait_dma2 semaphore(%run_scoped3A : memref<!tpu.dma_semaphore, #tpu.memory_space<semaphore_mem>>) src(%dma_wait3A_19 : memref<512xi32, #tpu.memory_space<hbm>>) dst(%arg5 : memref<512xi32, #tpu.memory_space<vmem>>)
        tpu.yield
      }) : () -> ()
      %dma_start3A = arith.constant 0 : i32
      %dma_start3A_12 = arith.constant 0 : i32
      %dma_start3A_13 = tpu.memref_slice %arg2[%dma_start3A, %dma_start3A_12] : memref<16384x128xf32, #tpu.memory_space<hbm>> -> memref<16384x128xf32, #tpu.memory_space<hbm>>
      tpu.enqueue_indirect_dma source(%dma_start3A_13 : memref<16384x128xf32, #tpu.memory_space<hbm>>) target(%arg6 : memref<512x128xf32, #tpu.memory_space<vmem>>) offsets(%arg5 : memref<512xi32, #tpu.memory_space<vmem>>) semaphore(%arg7 : memref<!tpu.dma_semaphore, #tpu.memory_space<semaphore_mem>>)
      %dma_wait3A = arith.constant 0 : i32
      %dma_wait3A_14 = arith.constant 0 : i32
      %dma_wait3A_15 = tpu.memref_slice %arg2[%dma_wait3A, %dma_wait3A_14] : memref<16384x128xf32, #tpu.memory_space<hbm>> -> memref<16384x128xf32, #tpu.memory_space<hbm>>
      tpu.wait_indirect_dma semaphore(%arg7 : memref<!tpu.dma_semaphore, #tpu.memory_space<semaphore_mem>>) src(%dma_wait3A_15 : memref<16384x128xf32, #tpu.memory_space<hbm>>) dst(%arg6 : memref<512x128xf32, #tpu.memory_space<vmem>>)
      "tpu.region"() ({
        %run_scoped3A = tpu.sem_alloc : memref<!tpu.dma_semaphore, #tpu.memory_space<semaphore_mem>>
        %dma_start3A_16 = arith.constant 0 : i32
        %dma_start3A_17 = tpu.memref_slice %arg4[%add3A_11, %dma_start3A_16] : memref<524288x128xf32, #tpu.memory_space<hbm>> -> memref<512x128xf32, #tpu.memory_space<hbm>>
        %dma_start3A_18 = arith.constant 0 : i32
        %dma_start3A_19 = tpu.memref_slice %arg4[%add3A_11, %dma_start3A_18] : memref<524288x128xf32, #tpu.memory_space<hbm>> -> memref<512x128xf32, #tpu.memory_space<hbm>>
        tpu.enqueue_dma source(%arg6 : memref<512x128xf32, #tpu.memory_space<vmem>>) target(%dma_start3A_19 : memref<512x128xf32, #tpu.memory_space<hbm>>) target_semaphore(%run_scoped3A : memref<!tpu.dma_semaphore, #tpu.memory_space<semaphore_mem>>)
        %dma_wait3A_20 = arith.constant 0 : i32
        %dma_wait3A_21 = tpu.memref_slice %arg4[%add3A_11, %dma_wait3A_20] : memref<524288x128xf32, #tpu.memory_space<hbm>> -> memref<512x128xf32, #tpu.memory_space<hbm>>
        %dma_wait3A_22 = arith.constant 0 : i32
        %dma_wait3A_23 = tpu.memref_slice %arg4[%add3A_11, %dma_wait3A_22] : memref<524288x128xf32, #tpu.memory_space<hbm>> -> memref<512x128xf32, #tpu.memory_space<hbm>>
        tpu.wait_dma2 semaphore(%run_scoped3A : memref<!tpu.dma_semaphore, #tpu.memory_space<semaphore_mem>>) src(%arg6 : memref<512x128xf32, #tpu.memory_space<vmem>>) dst(%dma_wait3A_23 : memref<512x128xf32, #tpu.memory_space<hbm>>)
        tpu.yield
      }) : () -> ()
    }
    %scan3A_7 = arith.constant 32 : i32
    return
  }
}

#map = affine_map<(d0, d1) -> (0, 0)>
#map1 = affine_map<(d0, d1) -> (0)>
module attributes {stable_mosaic.version = 14 : i64} {
  func.func @gather_k(%arg0: i32, %arg1: i32, %arg2: memref<8192x128xf32, #tpu.memory_space<hbm>>, %arg3: memref<131072xi32, #tpu.memory_space<hbm>>, %arg4: memref<131072x128xf32, #tpu.memory_space<hbm>>, %arg5: memref<512xi32, #tpu.memory_space<vmem>>, %arg6: memref<512x128xf32, #tpu.memory_space<vmem>>, %arg7: memref<!tpu.dma_semaphore, #tpu.memory_space<semaphore_mem>>) attributes {dimension_semantics = [#tpu.dimension_semantics<core_parallel>, #tpu.dimension_semantics<subcore_parallel>], iteration_bounds = array<i64: 2, 16>, scalar_prefetch = 0 : i64, scratch_operands = 3 : i64, tpu.core_type = #tpu.core_type<sc_vector_subcore>, window_params = [{transform_indices = #map}, {transform_indices = #map1}, {transform_indices = #map}]} {
    %mul3A = arith.constant 2 : i32
    %mul3A_0 = arith.muli %arg1, %mul3A : i32
    %add3A = arith.addi %mul3A_0, %arg0 : i32
    %mul3A_1 = arith.constant 4096 : i32
    %mul3A_2 = arith.muli %add3A, %mul3A_1 : i32
    %scan3A = arith.constant 0 : i32
    %scan3A_3 = arith.constant 0 : i32
    %scan3A_4 = arith.constant 8 : i32
    %scan3A_5 = arith.addi %scan3A_3, %scan3A_4 : i32
    %scan3A_6 = arith.constant 1 : i32
    scf.for %scan3A_8 = %scan3A_3 to %scan3A_5 step %scan3A_6  : i32 {
      %mul3A_9 = arith.constant 512 : i32
      %mul3A_10 = arith.muli %scan3A_8, %mul3A_9 : i32
      %add3A_11 = arith.addi %mul3A_2, %mul3A_10 : i32
      "tpu.region"() ({
        %run_scoped3A = tpu.sem_alloc : memref<!tpu.dma_semaphore, #tpu.memory_space<semaphore_mem>>
        %dma_start3A_16 = tpu.memref_slice %arg3[%add3A_11] : memref<131072xi32, #tpu.memory_space<hbm>> -> memref<512xi32, #tpu.memory_space<hbm>>
        %dma_start3A_17 = tpu.memref_slice %arg3[%add3A_11] : memref<131072xi32, #tpu.memory_space<hbm>> -> memref<512xi32, #tpu.memory_space<hbm>>
        tpu.enqueue_dma source(%dma_start3A_17 : memref<512xi32, #tpu.memory_space<hbm>>) target(%arg5 : memref<512xi32, #tpu.memory_space<vmem>>) target_semaphore(%run_scoped3A : memref<!tpu.dma_semaphore, #tpu.memory_space<semaphore_mem>>)
        %dma_wait3A_18 = tpu.memref_slice %arg3[%add3A_11] : memref<131072xi32, #tpu.memory_space<hbm>> -> memref<512xi32, #tpu.memory_space<hbm>>
        %dma_wait3A_19 = tpu.memref_slice %arg3[%add3A_11] : memref<131072xi32, #tpu.memory_space<hbm>> -> memref<512xi32, #tpu.memory_space<hbm>>
        tpu.wait_dma2 semaphore(%run_scoped3A : memref<!tpu.dma_semaphore, #tpu.memory_space<semaphore_mem>>) src(%dma_wait3A_19 : memref<512xi32, #tpu.memory_space<hbm>>) dst(%arg5 : memref<512xi32, #tpu.memory_space<vmem>>)
        tpu.yield
      }) : () -> ()
      %dma_start3A = arith.constant 0 : i32
      %dma_start3A_12 = arith.constant 0 : i32
      %dma_start3A_13 = tpu.memref_slice %arg2[%dma_start3A, %dma_start3A_12] : memref<8192x128xf32, #tpu.memory_space<hbm>> -> memref<8192x128xf32, #tpu.memory_space<hbm>>
      tpu.enqueue_indirect_dma source(%dma_start3A_13 : memref<8192x128xf32, #tpu.memory_space<hbm>>) target(%arg6 : memref<512x128xf32, #tpu.memory_space<vmem>>) offsets(%arg5 : memref<512xi32, #tpu.memory_space<vmem>>) semaphore(%arg7 : memref<!tpu.dma_semaphore, #tpu.memory_space<semaphore_mem>>)
      %dma_wait3A = arith.constant 0 : i32
      %dma_wait3A_14 = arith.constant 0 : i32
      %dma_wait3A_15 = tpu.memref_slice %arg2[%dma_wait3A, %dma_wait3A_14] : memref<8192x128xf32, #tpu.memory_space<hbm>> -> memref<8192x128xf32, #tpu.memory_space<hbm>>
      tpu.wait_indirect_dma semaphore(%arg7 : memref<!tpu.dma_semaphore, #tpu.memory_space<semaphore_mem>>) src(%dma_wait3A_15 : memref<8192x128xf32, #tpu.memory_space<hbm>>) dst(%arg6 : memref<512x128xf32, #tpu.memory_space<vmem>>)
      "tpu.region"() ({
        %run_scoped3A = tpu.sem_alloc : memref<!tpu.dma_semaphore, #tpu.memory_space<semaphore_mem>>
        %dma_start3A_16 = arith.constant 0 : i32
        %dma_start3A_17 = tpu.memref_slice %arg4[%add3A_11, %dma_start3A_16] : memref<131072x128xf32, #tpu.memory_space<hbm>> -> memref<512x128xf32, #tpu.memory_space<hbm>>
        %dma_start3A_18 = arith.constant 0 : i32
        %dma_start3A_19 = tpu.memref_slice %arg4[%add3A_11, %dma_start3A_18] : memref<131072x128xf32, #tpu.memory_space<hbm>> -> memref<512x128xf32, #tpu.memory_space<hbm>>
        tpu.enqueue_dma source(%arg6 : memref<512x128xf32, #tpu.memory_space<vmem>>) target(%dma_start3A_19 : memref<512x128xf32, #tpu.memory_space<hbm>>) target_semaphore(%run_scoped3A : memref<!tpu.dma_semaphore, #tpu.memory_space<semaphore_mem>>)
        %dma_wait3A_20 = arith.constant 0 : i32
        %dma_wait3A_21 = tpu.memref_slice %arg4[%add3A_11, %dma_wait3A_20] : memref<131072x128xf32, #tpu.memory_space<hbm>> -> memref<512x128xf32, #tpu.memory_space<hbm>>
        %dma_wait3A_22 = arith.constant 0 : i32
        %dma_wait3A_23 = tpu.memref_slice %arg4[%add3A_11, %dma_wait3A_22] : memref<131072x128xf32, #tpu.memory_space<hbm>> -> memref<512x128xf32, #tpu.memory_space<hbm>>
        tpu.wait_dma2 semaphore(%run_scoped3A : memref<!tpu.dma_semaphore, #tpu.memory_space<semaphore_mem>>) src(%arg6 : memref<512x128xf32, #tpu.memory_space<vmem>>) dst(%dma_wait3A_23 : memref<512x128xf32, #tpu.memory_space<hbm>>)
        tpu.yield
      }) : () -> ()
    }
    %scan3A_7 = arith.constant 8 : i32
    return
  }
}

module attributes {stable_mosaic.version = 14 : i64} {
  func.func @_fps_body(%arg0: memref<16x1024xf32, #tpu.memory_space<vmem>>, %arg1: memref<16x1024xf32, #tpu.memory_space<vmem>>, %arg2: memref<16x1024xf32, #tpu.memory_space<vmem>>, %arg3: memref<16x512xi32, #tpu.memory_space<vmem>>, %arg4: memref<16x512xf32, #tpu.memory_space<vmem>>, %arg5: memref<16x512xf32, #tpu.memory_space<vmem>>, %arg6: memref<16x512xf32, #tpu.memory_space<vmem>>) attributes {dimension_semantics = [], scalar_prefetch = 0 : i64, scratch_operands = 0 : i64, tpu.core_type = #tpu.core_type<tc>} {
    %get3A = arith.constant 0 : index
    %get3A_0 = arith.constant 0 : index
    %get3A_1 = vector.load %arg0[%get3A, %get3A_0] : memref<16x1024xf32, #tpu.memory_space<vmem>>, vector<16x1024xf32>
    %get3A_2 = arith.constant 0 : index
    %get3A_3 = arith.constant 0 : index
    %get3A_4 = vector.load %arg1[%get3A_2, %get3A_3] : memref<16x1024xf32, #tpu.memory_space<vmem>>, vector<16x1024xf32>
    %get3A_5 = arith.constant 0 : index
    %get3A_6 = arith.constant 0 : index
    %get3A_7 = vector.load %arg2[%get3A_5, %get3A_6] : memref<16x1024xf32, #tpu.memory_space<vmem>>, vector<16x1024xf32>
    %iota3A = tpu.iota {dimensions = array<i32: 1>} : vector<16x1024xi32>
    %iota3A_8 = tpu.iota {dimensions = array<i32: 1>} : vector<16x512xi32>
    %broadcast_in_dim3A = arith.constant 0 : i32
    %broadcast_in_dim3A_9 = vector.broadcast %broadcast_in_dim3A : i32 to vector<16x1xi32>
    %broadcast_in_dim3A_10 = arith.constant 0x7F800000 : f32
    %broadcast_in_dim3A_11 = vector.broadcast %broadcast_in_dim3A_10 : f32 to vector<16x1024xf32>
    %broadcast_in_dim3A_12 = arith.constant 0 : i32
    %broadcast_in_dim3A_13 = vector.broadcast %broadcast_in_dim3A_12 : i32 to vector<16x512xi32>
    %broadcast_in_dim3A_14 = arith.constant 0.000000e+00 : f32
    %broadcast_in_dim3A_15 = vector.broadcast %broadcast_in_dim3A_14 : f32 to vector<16x512xf32>
    %broadcast_in_dim3A_16 = arith.constant 0.000000e+00 : f32
    %broadcast_in_dim3A_17 = vector.broadcast %broadcast_in_dim3A_16 : f32 to vector<16x512xf32>
    %broadcast_in_dim3A_18 = arith.constant 0.000000e+00 : f32
    %broadcast_in_dim3A_19 = vector.broadcast %broadcast_in_dim3A_18 : f32 to vector<16x512xf32>
    %scan3A = arith.constant 0 : i32
    %scan3A_20 = arith.constant 512 : i32
    %scan3A_21 = arith.addi %scan3A, %scan3A_20 : i32
    %scan3A_22 = arith.constant 1 : i32
    %scan3A_23:6 = scf.for %scan3A_36 = %scan3A to %scan3A_21 step %scan3A_22 iter_args(%scan3A_37 = %broadcast_in_dim3A_9, %scan3A_38 = %broadcast_in_dim3A_11, %scan3A_39 = %broadcast_in_dim3A_13, %scan3A_40 = %broadcast_in_dim3A_15, %scan3A_41 = %broadcast_in_dim3A_17, %scan3A_42 = %broadcast_in_dim3A_19) -> (vector<16x1xi32>, vector<16x1024xf32>, vector<16x512xi32>, vector<16x512xf32>, vector<16x512xf32>, vector<16x512xf32>)  : i32 {
      %eq3A = vector.broadcast %scan3A_37 : vector<16x1xi32> to vector<16x1024xi32>
      %eq3A_43 = arith.cmpi eq, %iota3A, %eq3A : vector<16x1024xi32>
      %jit3A = arith.constant 0.000000e+00 : f32
      %broadcast_in_dim3A_44 = vector.broadcast %jit3A : f32 to vector<16x1024xf32>
      %select_n3A = arith.select %eq3A_43, %get3A_1, %broadcast_in_dim3A_44 : vector<16x1024xi1>, vector<16x1024xf32>
      %reduce_sum3A = arith.constant dense<0.000000e+00> : vector<16xf32>
      %reduce_sum3A_45 = vector.multi_reduction <add>, %select_n3A, %reduce_sum3A [1] : vector<16x1024xf32> to vector<16xf32>
      %broadcast_in_dim3A_46 = vector.shape_cast %reduce_sum3A_45 : vector<16xf32> to vector<16x1xf32>
      %jit3A_47 = arith.constant 0.000000e+00 : f32
      %broadcast_in_dim3A_48 = vector.broadcast %jit3A_47 : f32 to vector<16x1024xf32>
      %select_n3A_49 = arith.select %eq3A_43, %get3A_4, %broadcast_in_dim3A_48 : vector<16x1024xi1>, vector<16x1024xf32>
      %reduce_sum3A_50 = arith.constant dense<0.000000e+00> : vector<16xf32>
      %reduce_sum3A_51 = vector.multi_reduction <add>, %select_n3A_49, %reduce_sum3A_50 [1] : vector<16x1024xf32> to vector<16xf32>
      %broadcast_in_dim3A_52 = vector.shape_cast %reduce_sum3A_51 : vector<16xf32> to vector<16x1xf32>
      %jit3A_53 = arith.constant 0.000000e+00 : f32
      %broadcast_in_dim3A_54 = vector.broadcast %jit3A_53 : f32 to vector<16x1024xf32>
      %select_n3A_55 = arith.select %eq3A_43, %get3A_7, %broadcast_in_dim3A_54 : vector<16x1024xi1>, vector<16x1024xf32>
      %reduce_sum3A_56 = arith.constant dense<0.000000e+00> : vector<16xf32>
      %reduce_sum3A_57 = vector.multi_reduction <add>, %select_n3A_55, %reduce_sum3A_56 [1] : vector<16x1024xf32> to vector<16xf32>
      %broadcast_in_dim3A_58 = vector.shape_cast %reduce_sum3A_57 : vector<16xf32> to vector<16x1xf32>
      %eq3A_59 = vector.broadcast %scan3A_36 : i32 to vector<16x512xi32>
      %eq3A_60 = arith.cmpi eq, %iota3A_8, %eq3A_59 : vector<16x512xi32>
      %broadcast_in_dim3A_61 = vector.shape_cast %broadcast_in_dim3A_46 : vector<16x1xf32> to vector<16x1xf32>
      %broadcast_in_dim3A_62 = vector.broadcast %broadcast_in_dim3A_61 : vector<16x1xf32> to vector<16x512xf32>
      %select_n3A_63 = arith.select %eq3A_60, %broadcast_in_dim3A_62, %scan3A_40 : vector<16x512xi1>, vector<16x512xf32>
      %broadcast_in_dim3A_64 = vector.shape_cast %broadcast_in_dim3A_52 : vector<16x1xf32> to vector<16x1xf32>
      %broadcast_in_dim3A_65 = vector.broadcast %broadcast_in_dim3A_64 : vector<16x1xf32> to vector<16x512xf32>
      %select_n3A_66 = arith.select %eq3A_60, %broadcast_in_dim3A_65, %scan3A_41 : vector<16x512xi1>, vector<16x512xf32>
      %broadcast_in_dim3A_67 = vector.shape_cast %broadcast_in_dim3A_58 : vector<16x1xf32> to vector<16x1xf32>
      %broadcast_in_dim3A_68 = vector.broadcast %broadcast_in_dim3A_67 : vector<16x1xf32> to vector<16x512xf32>
      %select_n3A_69 = arith.select %eq3A_60, %broadcast_in_dim3A_68, %scan3A_42 : vector<16x512xi1>, vector<16x512xf32>
      %sub3A = vector.broadcast %broadcast_in_dim3A_46 : vector<16x1xf32> to vector<16x1024xf32>
      %sub3A_70 = arith.subf %get3A_1, %sub3A : vector<16x1024xf32>
      %integer_pow3A = arith.mulf %sub3A_70, %sub3A_70 : vector<16x1024xf32>
      %sub3A_71 = vector.broadcast %broadcast_in_dim3A_52 : vector<16x1xf32> to vector<16x1024xf32>
      %sub3A_72 = arith.subf %get3A_4, %sub3A_71 : vector<16x1024xf32>
      %integer_pow3A_73 = arith.mulf %sub3A_72, %sub3A_72 : vector<16x1024xf32>
      %add3A = arith.addf %integer_pow3A, %integer_pow3A_73 : vector<16x1024xf32>
      %sub3A_74 = vector.broadcast %broadcast_in_dim3A_58 : vector<16x1xf32> to vector<16x1024xf32>
      %sub3A_75 = arith.subf %get3A_7, %sub3A_74 : vector<16x1024xf32>
      %integer_pow3A_76 = arith.mulf %sub3A_75, %sub3A_75 : vector<16x1024xf32>
      %add3A_77 = arith.addf %add3A, %integer_pow3A_76 : vector<16x1024xf32>
      %min3A = arith.minimumf %scan3A_38, %add3A_77 : vector<16x1024xf32>
      %reduce_max3A = arith.constant dense<0xFF800000> : vector<16xf32>
      %reduce_max3A_78 = vector.multi_reduction <maximumf>, %min3A, %reduce_max3A [1] : vector<16x1024xf32> to vector<16xf32>
      %broadcast_in_dim3A_79 = vector.shape_cast %reduce_max3A_78 : vector<16xf32> to vector<16x1xf32>
      %ge3A = vector.broadcast %broadcast_in_dim3A_79 : vector<16x1xf32> to vector<16x1024xf32>
      %ge3A_80 = arith.cmpf oge, %min3A, %ge3A : vector<16x1024xf32>
      %jit3A_81 = arith.constant 1073741824 : i32
      %broadcast_in_dim3A_82 = vector.broadcast %jit3A_81 : i32 to vector<16x1024xi32>
      %select_n3A_83 = arith.select %ge3A_80, %iota3A, %broadcast_in_dim3A_82 : vector<16x1024xi1>, vector<16x1024xi32>
      %reduce_min3A = arith.constant dense<2147483647> : vector<16xi32>
      %reduce_min3A_84 = vector.multi_reduction <minsi>, %select_n3A_83, %reduce_min3A [1] : vector<16x1024xi32> to vector<16xi32>
      %broadcast_in_dim3A_85 = vector.shape_cast %reduce_min3A_84 : vector<16xi32> to vector<16x1xi32>
      %add3A_86 = arith.constant 1 : i32
      %add3A_87 = arith.addi %scan3A_36, %add3A_86 : i32
      %eq3A_88 = vector.broadcast %add3A_87 : i32 to vector<16x512xi32>
      %eq3A_89 = arith.cmpi eq, %iota3A_8, %eq3A_88 : vector<16x512xi32>
      %broadcast_in_dim3A_90 = vector.shape_cast %broadcast_in_dim3A_85 : vector<16x1xi32> to vector<16x1xi32>
      %broadcast_in_dim3A_91 = vector.broadcast %broadcast_in_dim3A_90 : vector<16x1xi32> to vector<16x512xi32>
      %select_n3A_92 = arith.select %eq3A_89, %broadcast_in_dim3A_91, %scan3A_39 : vector<16x512xi1>, vector<16x512xi32>
      scf.yield %broadcast_in_dim3A_85, %min3A, %select_n3A_92, %select_n3A_63, %select_n3A_66, %select_n3A_69 : vector<16x1xi32>, vector<16x1024xf32>, vector<16x512xi32>, vector<16x512xf32>, vector<16x512xf32>, vector<16x512xf32>
    }
    %scan3A_24 = arith.constant 512 : i32
    %swap3A = arith.constant 0 : index
    %swap3A_25 = arith.constant 0 : index
    %swap3A_26 = vector.load %arg3[%swap3A, %swap3A_25] : memref<16x512xi32, #tpu.memory_space<vmem>>, vector<16x512xi32>
    tpu.vector_store %arg3[%swap3A, %swap3A_25], %scan3A_23#2 {strides = array<i32>} : memref<16x512xi32, #tpu.memory_space<vmem>>, vector<16x512xi32>,
    %swap3A_27 = arith.constant 0 : index
    %swap3A_28 = arith.constant 0 : index
    %swap3A_29 = vector.load %arg4[%swap3A_27, %swap3A_28] : memref<16x512xf32, #tpu.memory_space<vmem>>, vector<16x512xf32>
    tpu.vector_store %arg4[%swap3A_27, %swap3A_28], %scan3A_23#3 {strides = array<i32>} : memref<16x512xf32, #tpu.memory_space<vmem>>, vector<16x512xf32>,
    %swap3A_30 = arith.constant 0 : index
    %swap3A_31 = arith.constant 0 : index
    %swap3A_32 = vector.load %arg5[%swap3A_30, %swap3A_31] : memref<16x512xf32, #tpu.memory_space<vmem>>, vector<16x512xf32>
    tpu.vector_store %arg5[%swap3A_30, %swap3A_31], %scan3A_23#4 {strides = array<i32>} : memref<16x512xf32, #tpu.memory_space<vmem>>, vector<16x512xf32>,
    %swap3A_33 = arith.constant 0 : index
    %swap3A_34 = arith.constant 0 : index
    %swap3A_35 = vector.load %arg6[%swap3A_33, %swap3A_34] : memref<16x512xf32, #tpu.memory_space<vmem>>, vector<16x512xf32>
    tpu.vector_store %arg6[%swap3A_33, %swap3A_34], %scan3A_23#5 {strides = array<i32>} : memref<16x512xf32, #tpu.memory_space<vmem>>, vector<16x512xf32>,
    return
  }
}

module attributes {stable_mosaic.version = 14 : i64} {
  func.func @_u_body(%arg0: memref<16384x3xf32, #tpu.memory_space<vmem>>, %arg1: memref<16384x3xf32, #tpu.memory_space<vmem>>, %arg2: memref<3x64xf32, #tpu.memory_space<vmem>>, %arg3: memref<3x64xf32, #tpu.memory_space<vmem>>, %arg4: memref<16384x64xf32, #tpu.memory_space<vmem>>) attributes {dimension_semantics = [], scalar_prefetch = 0 : i64, scratch_operands = 0 : i64, tpu.core_type = #tpu.core_type<tc>} {
    %get3A = arith.constant 0 : index
    %get3A_0 = arith.constant 0 : index
    %get3A_1 = vector.load %arg0[%get3A, %get3A_0] : memref<16384x3xf32, #tpu.memory_space<vmem>>, vector<16384x3xf32>
    %get3A_2 = arith.constant 0 : index
    %get3A_3 = arith.constant 0 : index
    %get3A_4 = vector.load %arg1[%get3A_2, %get3A_3] : memref<16384x3xf32, #tpu.memory_space<vmem>>, vector<16384x3xf32>
    %get3A_5 = arith.constant 0 : index
    %get3A_6 = arith.constant 0 : index
    %get3A_7 = vector.load %arg2[%get3A_5, %get3A_6] : memref<3x64xf32, #tpu.memory_space<vmem>>, vector<3x64xf32>
    %dot_general3A = arith.constant dense<0.000000e+00> : vector<16384x64xf32>
    %dot_general3A_8 = tpu.matmul %get3A_1, %get3A_7, %dot_general3A {dimension_numbers = #tpu.dot_dimension_numbers<[1], [0], [0], [1], [0, 0, 1, 1], [], []>, transpose_lhs_hint = false} : vector<16384x3xf32>, vector<3x64xf32>, vector<16384x64xf32> -> vector<16384x64xf32>
    %get3A_9 = arith.constant 0 : index
    %get3A_10 = arith.constant 0 : index
    %get3A_11 = vector.load %arg3[%get3A_9, %get3A_10] : memref<3x64xf32, #tpu.memory_space<vmem>>, vector<3x64xf32>
    %dot_general3A_12 = arith.constant dense<0.000000e+00> : vector<16384x64xf32>
    %dot_general3A_13 = tpu.matmul %get3A_4, %get3A_11, %dot_general3A_12 {dimension_numbers = #tpu.dot_dimension_numbers<[1], [0], [0], [1], [0, 0, 1, 1], [], []>, transpose_lhs_hint = false} : vector<16384x3xf32>, vector<3x64xf32>, vector<16384x64xf32> -> vector<16384x64xf32>
    %add3A = arith.addf %dot_general3A_8, %dot_general3A_13 : vector<16384x64xf32>
    %swap3A = arith.constant 0 : index
    %swap3A_14 = arith.constant 0 : index
    %swap3A_15 = vector.load %arg4[%swap3A, %swap3A_14] : memref<16384x64xf32, #tpu.memory_space<vmem>>, vector<16384x64xf32>
    tpu.vector_store %arg4[%swap3A, %swap3A_14], %add3A {strides = array<i32>} : memref<16384x64xf32, #tpu.memory_space<vmem>>, vector<16384x64xf32>,
    return
  }
}

module attributes {stable_mosaic.version = 14 : i64} {
  func.func @_fps_body(%arg0: memref<16x512xf32, #tpu.memory_space<vmem>>, %arg1: memref<16x512xf32, #tpu.memory_space<vmem>>, %arg2: memref<16x512xf32, #tpu.memory_space<vmem>>, %arg3: memref<16x128xi32, #tpu.memory_space<vmem>>, %arg4: memref<16x128xf32, #tpu.memory_space<vmem>>, %arg5: memref<16x128xf32, #tpu.memory_space<vmem>>, %arg6: memref<16x128xf32, #tpu.memory_space<vmem>>) attributes {dimension_semantics = [], scalar_prefetch = 0 : i64, scratch_operands = 0 : i64, tpu.core_type = #tpu.core_type<tc>} {
    %get3A = arith.constant 0 : index
    %get3A_0 = arith.constant 0 : index
    %get3A_1 = vector.load %arg0[%get3A, %get3A_0] : memref<16x512xf32, #tpu.memory_space<vmem>>, vector<16x512xf32>
    %get3A_2 = arith.constant 0 : index
    %get3A_3 = arith.constant 0 : index
    %get3A_4 = vector.load %arg1[%get3A_2, %get3A_3] : memref<16x512xf32, #tpu.memory_space<vmem>>, vector<16x512xf32>
    %get3A_5 = arith.constant 0 : index
    %get3A_6 = arith.constant 0 : index
    %get3A_7 = vector.load %arg2[%get3A_5, %get3A_6] : memref<16x512xf32, #tpu.memory_space<vmem>>, vector<16x512xf32>
    %iota3A = tpu.iota {dimensions = array<i32: 1>} : vector<16x512xi32>
    %iota3A_8 = tpu.iota {dimensions = array<i32: 1>} : vector<16x128xi32>
    %broadcast_in_dim3A = arith.constant 0 : i32
    %broadcast_in_dim3A_9 = vector.broadcast %broadcast_in_dim3A : i32 to vector<16x1xi32>
    %broadcast_in_dim3A_10 = arith.constant 0x7F800000 : f32
    %broadcast_in_dim3A_11 = vector.broadcast %broadcast_in_dim3A_10 : f32 to vector<16x512xf32>
    %broadcast_in_dim3A_12 = arith.constant 0 : i32
    %broadcast_in_dim3A_13 = vector.broadcast %broadcast_in_dim3A_12 : i32 to vector<16x128xi32>
    %broadcast_in_dim3A_14 = arith.constant 0.000000e+00 : f32
    %broadcast_in_dim3A_15 = vector.broadcast %broadcast_in_dim3A_14 : f32 to vector<16x128xf32>
    %broadcast_in_dim3A_16 = arith.constant 0.000000e+00 : f32
    %broadcast_in_dim3A_17 = vector.broadcast %broadcast_in_dim3A_16 : f32 to vector<16x128xf32>
    %broadcast_in_dim3A_18 = arith.constant 0.000000e+00 : f32
    %broadcast_in_dim3A_19 = vector.broadcast %broadcast_in_dim3A_18 : f32 to vector<16x128xf32>
    %scan3A = arith.constant 0 : i32
    %scan3A_20 = arith.constant 128 : i32
    %scan3A_21 = arith.addi %scan3A, %scan3A_20 : i32
    %scan3A_22 = arith.constant 1 : i32
    %scan3A_23:6 = scf.for %scan3A_36 = %scan3A to %scan3A_21 step %scan3A_22 iter_args(%scan3A_37 = %broadcast_in_dim3A_9, %scan3A_38 = %broadcast_in_dim3A_11, %scan3A_39 = %broadcast_in_dim3A_13, %scan3A_40 = %broadcast_in_dim3A_15, %scan3A_41 = %broadcast_in_dim3A_17, %scan3A_42 = %broadcast_in_dim3A_19) -> (vector<16x1xi32>, vector<16x512xf32>, vector<16x128xi32>, vector<16x128xf32>, vector<16x128xf32>, vector<16x128xf32>)  : i32 {
      %eq3A = vector.broadcast %scan3A_37 : vector<16x1xi32> to vector<16x512xi32>
      %eq3A_43 = arith.cmpi eq, %iota3A, %eq3A : vector<16x512xi32>
      %jit3A = arith.constant 0.000000e+00 : f32
      %broadcast_in_dim3A_44 = vector.broadcast %jit3A : f32 to vector<16x512xf32>
      %select_n3A = arith.select %eq3A_43, %get3A_1, %broadcast_in_dim3A_44 : vector<16x512xi1>, vector<16x512xf32>
      %reduce_sum3A = arith.constant dense<0.000000e+00> : vector<16xf32>
      %reduce_sum3A_45 = vector.multi_reduction <add>, %select_n3A, %reduce_sum3A [1] : vector<16x512xf32> to vector<16xf32>
      %broadcast_in_dim3A_46 = vector.shape_cast %reduce_sum3A_45 : vector<16xf32> to vector<16x1xf32>
      %jit3A_47 = arith.constant 0.000000e+00 : f32
      %broadcast_in_dim3A_48 = vector.broadcast %jit3A_47 : f32 to vector<16x512xf32>
      %select_n3A_49 = arith.select %eq3A_43, %get3A_4, %broadcast_in_dim3A_48 : vector<16x512xi1>, vector<16x512xf32>
      %reduce_sum3A_50 = arith.constant dense<0.000000e+00> : vector<16xf32>
      %reduce_sum3A_51 = vector.multi_reduction <add>, %select_n3A_49, %reduce_sum3A_50 [1] : vector<16x512xf32> to vector<16xf32>
      %broadcast_in_dim3A_52 = vector.shape_cast %reduce_sum3A_51 : vector<16xf32> to vector<16x1xf32>
      %jit3A_53 = arith.constant 0.000000e+00 : f32
      %broadcast_in_dim3A_54 = vector.broadcast %jit3A_53 : f32 to vector<16x512xf32>
      %select_n3A_55 = arith.select %eq3A_43, %get3A_7, %broadcast_in_dim3A_54 : vector<16x512xi1>, vector<16x512xf32>
      %reduce_sum3A_56 = arith.constant dense<0.000000e+00> : vector<16xf32>
      %reduce_sum3A_57 = vector.multi_reduction <add>, %select_n3A_55, %reduce_sum3A_56 [1] : vector<16x512xf32> to vector<16xf32>
      %broadcast_in_dim3A_58 = vector.shape_cast %reduce_sum3A_57 : vector<16xf32> to vector<16x1xf32>
      %eq3A_59 = vector.broadcast %scan3A_36 : i32 to vector<16x128xi32>
      %eq3A_60 = arith.cmpi eq, %iota3A_8, %eq3A_59 : vector<16x128xi32>
      %broadcast_in_dim3A_61 = vector.shape_cast %broadcast_in_dim3A_46 : vector<16x1xf32> to vector<16x1xf32>
      %broadcast_in_dim3A_62 = vector.broadcast %broadcast_in_dim3A_61 : vector<16x1xf32> to vector<16x128xf32>
      %select_n3A_63 = arith.select %eq3A_60, %broadcast_in_dim3A_62, %scan3A_40 : vector<16x128xi1>, vector<16x128xf32>
      %broadcast_in_dim3A_64 = vector.shape_cast %broadcast_in_dim3A_52 : vector<16x1xf32> to vector<16x1xf32>
      %broadcast_in_dim3A_65 = vector.broadcast %broadcast_in_dim3A_64 : vector<16x1xf32> to vector<16x128xf32>
      %select_n3A_66 = arith.select %eq3A_60, %broadcast_in_dim3A_65, %scan3A_41 : vector<16x128xi1>, vector<16x128xf32>
      %broadcast_in_dim3A_67 = vector.shape_cast %broadcast_in_dim3A_58 : vector<16x1xf32> to vector<16x1xf32>
      %broadcast_in_dim3A_68 = vector.broadcast %broadcast_in_dim3A_67 : vector<16x1xf32> to vector<16x128xf32>
      %select_n3A_69 = arith.select %eq3A_60, %broadcast_in_dim3A_68, %scan3A_42 : vector<16x128xi1>, vector<16x128xf32>
      %sub3A = vector.broadcast %broadcast_in_dim3A_46 : vector<16x1xf32> to vector<16x512xf32>
      %sub3A_70 = arith.subf %get3A_1, %sub3A : vector<16x512xf32>
      %integer_pow3A = arith.mulf %sub3A_70, %sub3A_70 : vector<16x512xf32>
      %sub3A_71 = vector.broadcast %broadcast_in_dim3A_52 : vector<16x1xf32> to vector<16x512xf32>
      %sub3A_72 = arith.subf %get3A_4, %sub3A_71 : vector<16x512xf32>
      %integer_pow3A_73 = arith.mulf %sub3A_72, %sub3A_72 : vector<16x512xf32>
      %add3A = arith.addf %integer_pow3A, %integer_pow3A_73 : vector<16x512xf32>
      %sub3A_74 = vector.broadcast %broadcast_in_dim3A_58 : vector<16x1xf32> to vector<16x512xf32>
      %sub3A_75 = arith.subf %get3A_7, %sub3A_74 : vector<16x512xf32>
      %integer_pow3A_76 = arith.mulf %sub3A_75, %sub3A_75 : vector<16x512xf32>
      %add3A_77 = arith.addf %add3A, %integer_pow3A_76 : vector<16x512xf32>
      %min3A = arith.minimumf %scan3A_38, %add3A_77 : vector<16x512xf32>
      %reduce_max3A = arith.constant dense<0xFF800000> : vector<16xf32>
      %reduce_max3A_78 = vector.multi_reduction <maximumf>, %min3A, %reduce_max3A [1] : vector<16x512xf32> to vector<16xf32>
      %broadcast_in_dim3A_79 = vector.shape_cast %reduce_max3A_78 : vector<16xf32> to vector<16x1xf32>
      %ge3A = vector.broadcast %broadcast_in_dim3A_79 : vector<16x1xf32> to vector<16x512xf32>
      %ge3A_80 = arith.cmpf oge, %min3A, %ge3A : vector<16x512xf32>
      %jit3A_81 = arith.constant 1073741824 : i32
      %broadcast_in_dim3A_82 = vector.broadcast %jit3A_81 : i32 to vector<16x512xi32>
      %select_n3A_83 = arith.select %ge3A_80, %iota3A, %broadcast_in_dim3A_82 : vector<16x512xi1>, vector<16x512xi32>
      %reduce_min3A = arith.constant dense<2147483647> : vector<16xi32>
      %reduce_min3A_84 = vector.multi_reduction <minsi>, %select_n3A_83, %reduce_min3A [1] : vector<16x512xi32> to vector<16xi32>
      %broadcast_in_dim3A_85 = vector.shape_cast %reduce_min3A_84 : vector<16xi32> to vector<16x1xi32>
      %add3A_86 = arith.constant 1 : i32
      %add3A_87 = arith.addi %scan3A_36, %add3A_86 : i32
      %eq3A_88 = vector.broadcast %add3A_87 : i32 to vector<16x128xi32>
      %eq3A_89 = arith.cmpi eq, %iota3A_8, %eq3A_88 : vector<16x128xi32>
      %broadcast_in_dim3A_90 = vector.shape_cast %broadcast_in_dim3A_85 : vector<16x1xi32> to vector<16x1xi32>
      %broadcast_in_dim3A_91 = vector.broadcast %broadcast_in_dim3A_90 : vector<16x1xi32> to vector<16x128xi32>
      %select_n3A_92 = arith.select %eq3A_89, %broadcast_in_dim3A_91, %scan3A_39 : vector<16x128xi1>, vector<16x128xi32>
      scf.yield %broadcast_in_dim3A_85, %min3A, %select_n3A_92, %select_n3A_63, %select_n3A_66, %select_n3A_69 : vector<16x1xi32>, vector<16x512xf32>, vector<16x128xi32>, vector<16x128xf32>, vector<16x128xf32>, vector<16x128xf32>
    }
    %scan3A_24 = arith.constant 128 : i32
    %swap3A = arith.constant 0 : index
    %swap3A_25 = arith.constant 0 : index
    %swap3A_26 = vector.load %arg3[%swap3A, %swap3A_25] : memref<16x128xi32, #tpu.memory_space<vmem>>, vector<16x128xi32>
    tpu.vector_store %arg3[%swap3A, %swap3A_25], %scan3A_23#2 {strides = array<i32>} : memref<16x128xi32, #tpu.memory_space<vmem>>, vector<16x128xi32>,
    %swap3A_27 = arith.constant 0 : index
    %swap3A_28 = arith.constant 0 : index
    %swap3A_29 = vector.load %arg4[%swap3A_27, %swap3A_28] : memref<16x128xf32, #tpu.memory_space<vmem>>, vector<16x128xf32>
    tpu.vector_store %arg4[%swap3A_27, %swap3A_28], %scan3A_23#3 {strides = array<i32>} : memref<16x128xf32, #tpu.memory_space<vmem>>, vector<16x128xf32>,
    %swap3A_30 = arith.constant 0 : index
    %swap3A_31 = arith.constant 0 : index
    %swap3A_32 = vector.load %arg5[%swap3A_30, %swap3A_31] : memref<16x128xf32, #tpu.memory_space<vmem>>, vector<16x128xf32>
    tpu.vector_store %arg5[%swap3A_30, %swap3A_31], %scan3A_23#4 {strides = array<i32>} : memref<16x128xf32, #tpu.memory_space<vmem>>, vector<16x128xf32>,
    %swap3A_33 = arith.constant 0 : index
    %swap3A_34 = arith.constant 0 : index
    %swap3A_35 = vector.load %arg6[%swap3A_33, %swap3A_34] : memref<16x128xf32, #tpu.memory_space<vmem>>, vector<16x128xf32>
    tpu.vector_store %arg6[%swap3A_33, %swap3A_34], %scan3A_23#5 {strides = array<i32>} : memref<16x128xf32, #tpu.memory_space<vmem>>, vector<16x128xf32>,
    return
  }
}

module attributes {stable_mosaic.version = 14 : i64} {
  func.func @_pair_body(%arg0: i32, %arg1: i32, %arg2: memref<1x8192x128xf32, #tpu.memory_space<vmem>>, %arg3: memref<1x128x3xf32, #tpu.memory_space<vmem>>, %arg4: memref<1x128x64xf32, #tpu.memory_space<vmem>>, %arg5: memref<3x64xf32, #tpu.memory_space<vmem>>, %arg6: memref<1x64xf32, #tpu.memory_space<vmem>>, %arg7: memref<64x64xf32, #tpu.memory_space<vmem>>, %arg8: memref<1x64xf32, #tpu.memory_space<vmem>>, %arg9: memref<64x128xf32, #tpu.memory_space<vmem>>, %arg10: memref<1x128xf32, #tpu.memory_space<vmem>>, %arg11: memref<1x128x128xf32, #tpu.memory_space<vmem>>) attributes {dimension_semantics = [#tpu.dimension_semantics<arbitrary>, #tpu.dimension_semantics<arbitrary>], iteration_bounds = array<i64: 16, 4>, scalar_prefetch = 0 : i64, scratch_operands = 0 : i64, tpu.core_type = #tpu.core_type<tc>, window_params = [{transform_indices = @transform_0, window_bounds = array<i64: 1, 8192, 128>}, {transform_indices = @transform_1, window_bounds = array<i64: 1, 128, 3>}, {transform_indices = @transform_2, window_bounds = array<i64: 1, 128, 64>}, {pipeline_mode = #tpu.pipeline_mode<synchronous>, transform_indices = @transform_3, window_bounds = array<i64: 3, 64>}, {pipeline_mode = #tpu.pipeline_mode<synchronous>, transform_indices = @transform_4, window_bounds = array<i64: 1, 64>}, {pipeline_mode = #tpu.pipeline_mode<synchronous>, transform_indices = @transform_5, window_bounds = array<i64: 64, 64>}, {pipeline_mode = #tpu.pipeline_mode<synchronous>, transform_indices = @transform_6, window_bounds = array<i64: 1, 64>}, {pipeline_mode = #tpu.pipeline_mode<synchronous>, transform_indices = @transform_7, window_bounds = array<i64: 64, 128>}, {pipeline_mode = #tpu.pipeline_mode<synchronous>, transform_indices = @transform_8, window_bounds = array<i64: 1, 128>}, {transform_indices = @transform_9, window_bounds = array<i64: 1, 128, 128>}]} {
    %get3A = arith.constant 0 : index
    %get3A_0 = arith.constant 0 : index
    %get3A_1 = arith.constant 0 : index
    %get3A_2 = vector.load %arg3[%get3A, %get3A_0, %get3A_1] : memref<1x128x3xf32, #tpu.memory_space<vmem>>, vector<1x128x3xf32>
    %get3A_3 = vector.shape_cast %get3A_2 : vector<1x128x3xf32> to vector<128x3xf32>
    %get3A_4 = arith.constant 0 : index
    %get3A_5 = arith.constant 0 : index
    %get3A_6 = vector.load %arg6[%get3A_4, %get3A_5] : memref<1x64xf32, #tpu.memory_space<vmem>>, vector<1x64xf32>
    %get3A_7 = arith.constant 0 : index
    %get3A_8 = arith.constant 0 : index
    %get3A_9 = vector.load %arg5[%get3A_7, %get3A_8] : memref<3x64xf32, #tpu.memory_space<vmem>>, vector<3x64xf32>
    %dot_general3A = arith.constant dense<0.000000e+00> : vector<128x64xf32>
    %dot_general3A_10 = tpu.matmul %get3A_3, %get3A_9, %dot_general3A {dimension_numbers = #tpu.dot_dimension_numbers<[1], [0], [0], [1], [0, 0, 1, 1], [], []>, transpose_lhs_hint = false} : vector<128x3xf32>, vector<3x64xf32>, vector<128x64xf32> -> vector<128x64xf32>
    %sub3A = vector.broadcast %get3A_6 : vector<1x64xf32> to vector<128x64xf32>
    %sub3A_11 = arith.subf %sub3A, %dot_general3A_10 : vector<128x64xf32>
    %get3A_12 = arith.constant 0 : index
    %get3A_13 = arith.constant 0 : index
    %get3A_14 = arith.constant 0 : index
    %get3A_15 = vector.load %arg2[%get3A_12, %get3A_13, %get3A_14] : memref<1x8192x128xf32, #tpu.memory_space<vmem>>, vector<1x8192x128xf32>
    %get3A_16 = vector.shape_cast %get3A_15 : vector<1x8192x128xf32> to vector<8192x128xf32>
    %reshape3A = vector.shape_cast %get3A_16 : vector<8192x128xf32> to vector<128x64x128xf32>
    %slice3A = vector.extract_strided_slice %reshape3A {offsets = [0, 0, 0], sizes = [128, 64, 64], strides = [1, 1, 1]} : vector<128x64x128xf32> to vector<128x64x64xf32>
    %broadcast_in_dim3A = vector.shape_cast %sub3A_11 : vector<128x64xf32> to vector<128x1x64xf32>
    %add3A = vector.broadcast %broadcast_in_dim3A : vector<128x1x64xf32> to vector<128x64x64xf32>
    %add3A_17 = arith.addf %slice3A, %add3A : vector<128x64x64xf32>
    %max3A = arith.constant 0.000000e+00 : f32
    %max3A_18 = vector.broadcast %max3A : f32 to vector<128x64x64xf32>
    %max3A_19 = arith.maximumf %add3A_17, %max3A_18 : vector<128x64x64xf32>
    %reshape3A_20 = vector.shape_cast %max3A_19 : vector<128x64x64xf32> to vector<8192x64xf32>
    %get3A_21 = arith.constant 0 : index
    %get3A_22 = arith.constant 0 : index
    %get3A_23 = vector.load %arg7[%get3A_21, %get3A_22] : memref<64x64xf32, #tpu.memory_space<vmem>>, vector<64x64xf32>
    %dot_general3A_24 = arith.constant dense<0.000000e+00> : vector<8192x64xf32>
    %dot_general3A_25 = tpu.matmul %reshape3A_20, %get3A_23, %dot_general3A_24 {dimension_numbers = #tpu.dot_dimension_numbers<[1], [0], [0], [1], [0, 0, 1, 1], [], []>, transpose_lhs_hint = false} : vector<8192x64xf32>, vector<64x64xf32>, vector<8192x64xf32> -> vector<8192x64xf32>
    %get3A_26 = arith.constant 0 : index
    %get3A_27 = arith.constant 0 : index
    %get3A_28 = vector.load %arg8[%get3A_26, %get3A_27] : memref<1x64xf32, #tpu.memory_space<vmem>>, vector<1x64xf32>
    %add3A_29 = vector.broadcast %get3A_28 : vector<1x64xf32> to vector<8192x64xf32>
    %add3A_30 = arith.addf %dot_general3A_25, %add3A_29 : vector<8192x64xf32>
    %max3A_31 = arith.constant 0.000000e+00 : f32
    %max3A_32 = vector.broadcast %max3A_31 : f32 to vector<8192x64xf32>
    %max3A_33 = arith.maximumf %add3A_30, %max3A_32 : vector<8192x64xf32>
    %get3A_34 = arith.constant 0 : index
    %get3A_35 = arith.constant 0 : index
    %get3A_36 = vector.load %arg9[%get3A_34, %get3A_35] : memref<64x128xf32, #tpu.memory_space<vmem>>, vector<64x128xf32>
    %dot_general3A_37 = arith.constant dense<0.000000e+00> : vector<8192x128xf32>
    %dot_general3A_38 = tpu.matmul %max3A_33, %get3A_36, %dot_general3A_37 {dimension_numbers = #tpu.dot_dimension_numbers<[1], [0], [0], [1], [0, 0, 1, 1], [], []>, transpose_lhs_hint = false} : vector<8192x64xf32>, vector<64x128xf32>, vector<8192x128xf32> -> vector<8192x128xf32>
    %get3A_39 = arith.constant 0 : index
    %get3A_40 = arith.constant 0 : index
    %get3A_41 = vector.load %arg10[%get3A_39, %get3A_40] : memref<1x128xf32, #tpu.memory_space<vmem>>, vector<1x128xf32>
    %add3A_42 = vector.broadcast %get3A_41 : vector<1x128xf32> to vector<8192x128xf32>
    %add3A_43 = arith.addf %dot_general3A_38, %add3A_42 : vector<8192x128xf32>
    %reshape3A_44 = vector.shape_cast %add3A_43 : vector<8192x128xf32> to vector<128x64x128xf32>
    %get3A_45 = arith.constant 0 : index
    %get3A_46 = arith.constant 0 : index
    %get3A_47 = arith.constant 0 : index
    %get3A_48 = vector.load %arg4[%get3A_45, %get3A_46, %get3A_47] : memref<1x128x64xf32, #tpu.memory_space<vmem>>, vector<1x128x64xf32>
    %get3A_49 = vector.shape_cast %get3A_48 : vector<1x128x64xf32> to vector<128x64xf32>
    %broadcast_in_dim3A_50 = vector.shape_cast %get3A_49 : vector<128x64xf32> to vector<128x64x1xf32>
    %add3A_51 = vector.broadcast %broadcast_in_dim3A_50 : vector<128x64x1xf32> to vector<128x64x128xf32>
    %add3A_52 = arith.addf %reshape3A_44, %add3A_51 : vector<128x64x128xf32>
    %slice3A_53 = vector.extract_strided_slice %add3A_52 {offsets = [0, 0, 0], sizes = [128, 32, 128], strides = [1, 1, 1]} : vector<128x64x128xf32> to vector<128x32x128xf32>
    %slice3A_54 = vector.extract_strided_slice %add3A_52 {offsets = [0, 32, 0], sizes = [128, 32, 128], strides = [1, 1, 1]} : vector<128x64x128xf32> to vector<128x32x128xf32>
    %max3A_55 = arith.maximumf %slice3A_53, %slice3A_54 : vector<128x32x128xf32>
    %slice3A_56 = vector.extract_strided_slice %max3A_55 {offsets = [0, 0, 0], sizes = [128, 16, 128], strides = [1, 1, 1]} : vector<128x32x128xf32> to vector<128x16x128xf32>
    %slice3A_57 = vector.extract_strided_slice %max3A_55 {offsets = [0, 16, 0], sizes = [128, 16, 128], strides = [1, 1, 1]} : vector<128x32x128xf32> to vector<128x16x128xf32>
    %max3A_58 = arith.maximumf %slice3A_56, %slice3A_57 : vector<128x16x128xf32>
    %slice3A_59 = vector.extract_strided_slice %max3A_58 {offsets = [0, 0, 0], sizes = [128, 8, 128], strides = [1, 1, 1]} : vector<128x16x128xf32> to vector<128x8x128xf32>
    %slice3A_60 = vector.extract_strided_slice %max3A_58 {offsets = [0, 8, 0], sizes = [128, 8, 128], strides = [1, 1, 1]} : vector<128x16x128xf32> to vector<128x8x128xf32>
    %max3A_61 = arith.maximumf %slice3A_59, %slice3A_60 : vector<128x8x128xf32>
    %slice3A_62 = vector.extract_strided_slice %max3A_61 {offsets = [0, 0, 0], sizes = [128, 4, 128], strides = [1, 1, 1]} : vector<128x8x128xf32> to vector<128x4x128xf32>
    %slice3A_63 = vector.extract_strided_slice %max3A_61 {offsets = [0, 4, 0], sizes = [128, 4, 128], strides = [1, 1, 1]} : vector<128x8x128xf32> to vector<128x4x128xf32>
    %max3A_64 = arith.maximumf %slice3A_62, %slice3A_63 : vector<128x4x128xf32>
    %slice3A_65 = vector.extract_strided_slice %max3A_64 {offsets = [0, 0, 0], sizes = [128, 2, 128], strides = [1, 1, 1]} : vector<128x4x128xf32> to vector<128x2x128xf32>
    %slice3A_66 = vector.extract_strided_slice %max3A_64 {offsets = [0, 2, 0], sizes = [128, 2, 128], strides = [1, 1, 1]} : vector<128x4x128xf32> to vector<128x2x128xf32>
    %max3A_67 = arith.maximumf %slice3A_65, %slice3A_66 : vector<128x2x128xf32>
    %slice3A_68 = vector.extract_strided_slice %max3A_67 {offsets = [0, 0, 0], sizes = [128, 1, 128], strides = [1, 1, 1]} : vector<128x2x128xf32> to vector<128x1x128xf32>
    %slice3A_69 = vector.extract_strided_slice %max3A_67 {offsets = [0, 1, 0], sizes = [128, 1, 128], strides = [1, 1, 1]} : vector<128x2x128xf32> to vector<128x1x128xf32>
    %max3A_70 = arith.maximumf %slice3A_68, %slice3A_69 : vector<128x1x128xf32>
    %squeeze3A = vector.shape_cast %max3A_70 : vector<128x1x128xf32> to vector<128x128xf32>
    %swap3A = arith.constant 0 : index
    %swap3A_71 = arith.constant 0 : index
    %swap3A_72 = arith.constant 0 : index
    %swap3A_73 = vector.load %arg11[%swap3A, %swap3A_71, %swap3A_72] : memref<1x128x128xf32, #tpu.memory_space<vmem>>, vector<1x128x128xf32>
    %swap3A_74 = vector.shape_cast %swap3A_73 : vector<1x128x128xf32> to vector<128x128xf32>
    %swap3A_75 = vector.shape_cast %squeeze3A : vector<128x128xf32> to vector<1x128x128xf32>
    tpu.vector_store %arg11[%swap3A, %swap3A_71, %swap3A_72], %swap3A_75 {strides = array<i32>} : memref<1x128x128xf32, #tpu.memory_space<vmem>>, vector<1x128x128xf32>,
    return
  }
  func.func @transform_0(%arg0: i32, %arg1: i32) -> (i32, i32, i32) {
    %c0_i32 = arith.constant 0 : i32
    %c0_i32_0 = arith.constant 0 : i32
    return %arg0, %arg1, %c0_i32 : i32, i32, i32
  }
  func.func @transform_1(%arg0: i32, %arg1: i32) -> (i32, i32, i32) {
    %c0_i32 = arith.constant 0 : i32
    %c0_i32_0 = arith.constant 0 : i32
    return %arg0, %arg1, %c0_i32 : i32, i32, i32
  }
  func.func @transform_2(%arg0: i32, %arg1: i32) -> (i32, i32, i32) {
    %c0_i32 = arith.constant 0 : i32
    %c0_i32_0 = arith.constant 0 : i32
    return %arg0, %arg1, %c0_i32 : i32, i32, i32
  }
  func.func @transform_3(%arg0: i32, %arg1: i32) -> (i32, i32) {
    %c0_i32 = arith.constant 0 : i32
    %c0_i32_0 = arith.constant 0 : i32
    %c0_i32_1 = arith.constant 0 : i32
    return %c0_i32, %c0_i32_0 : i32, i32
  }
  func.func @transform_4(%arg0: i32, %arg1: i32) -> (i32, i32) {
    %c0_i32 = arith.constant 0 : i32
    %c0_i32_0 = arith.constant 0 : i32
    %c0_i32_1 = arith.constant 0 : i32
    return %c0_i32, %c0_i32_0 : i32, i32
  }
  func.func @transform_5(%arg0: i32, %arg1: i32) -> (i32, i32) {
    %c0_i32 = arith.constant 0 : i32
    %c0_i32_0 = arith.constant 0 : i32
    %c0_i32_1 = arith.constant 0 : i32
    return %c0_i32, %c0_i32_0 : i32, i32
  }
  func.func @transform_6(%arg0: i32, %arg1: i32) -> (i32, i32) {
    %c0_i32 = arith.constant 0 : i32
    %c0_i32_0 = arith.constant 0 : i32
    %c0_i32_1 = arith.constant 0 : i32
    return %c0_i32, %c0_i32_0 : i32, i32
  }
  func.func @transform_7(%arg0: i32, %arg1: i32) -> (i32, i32) {
    %c0_i32 = arith.constant 0 : i32
    %c0_i32_0 = arith.constant 0 : i32
    %c0_i32_1 = arith.constant 0 : i32
    return %c0_i32, %c0_i32_0 : i32, i32
  }
  func.func @transform_8(%arg0: i32, %arg1: i32) -> (i32, i32) {
    %c0_i32 = arith.constant 0 : i32
    %c0_i32_0 = arith.constant 0 : i32
    %c0_i32_1 = arith.constant 0 : i32
    return %c0_i32, %c0_i32_0 : i32, i32
  }
  func.func @transform_9(%arg0: i32, %arg1: i32) -> (i32, i32, i32) {
    %c0_i32 = arith.constant 0 : i32
    %c0_i32_0 = arith.constant 0 : i32
    return %arg0, %arg1, %c0_i32 : i32, i32, i32
  }
}

module attributes {stable_mosaic.version = 14 : i64} {
  func.func @_u_body(%arg0: memref<8192x128xf32, #tpu.memory_space<vmem>>, %arg1: memref<8192x3xf32, #tpu.memory_space<vmem>>, %arg2: memref<128x128xf32, #tpu.memory_space<vmem>>, %arg3: memref<3x128xf32, #tpu.memory_space<vmem>>, %arg4: memref<8192x128xf32, #tpu.memory_space<vmem>>) attributes {dimension_semantics = [], scalar_prefetch = 0 : i64, scratch_operands = 0 : i64, tpu.core_type = #tpu.core_type<tc>} {
    %get3A = arith.constant 0 : index
    %get3A_0 = arith.constant 0 : index
    %get3A_1 = vector.load %arg0[%get3A, %get3A_0] : memref<8192x128xf32, #tpu.memory_space<vmem>>, vector<8192x128xf32>
    %get3A_2 = arith.constant 0 : index
    %get3A_3 = arith.constant 0 : index
    %get3A_4 = vector.load %arg1[%get3A_2, %get3A_3] : memref<8192x3xf32, #tpu.memory_space<vmem>>, vector<8192x3xf32>
    %get3A_5 = arith.constant 0 : index
    %get3A_6 = arith.constant 0 : index
    %get3A_7 = vector.load %arg2[%get3A_5, %get3A_6] : memref<128x128xf32, #tpu.memory_space<vmem>>, vector<128x128xf32>
    %dot_general3A = arith.constant dense<0.000000e+00> : vector<8192x128xf32>
    %dot_general3A_8 = tpu.matmul %get3A_1, %get3A_7, %dot_general3A {dimension_numbers = #tpu.dot_dimension_numbers<[1], [0], [0], [1], [0, 0, 1, 1], [], []>, transpose_lhs_hint = false} : vector<8192x128xf32>, vector<128x128xf32>, vector<8192x128xf32> -> vector<8192x128xf32>
    %get3A_9 = arith.constant 0 : index
    %get3A_10 = arith.constant 0 : index
    %get3A_11 = vector.load %arg3[%get3A_9, %get3A_10] : memref<3x128xf32, #tpu.memory_space<vmem>>, vector<3x128xf32>
    %dot_general3A_12 = arith.constant dense<0.000000e+00> : vector<8192x128xf32>
    %dot_general3A_13 = tpu.matmul %get3A_4, %get3A_11, %dot_general3A_12 {dimension_numbers = #tpu.dot_dimension_numbers<[1], [0], [0], [1], [0, 0, 1, 1], [], []>, transpose_lhs_hint = false} : vector<8192x3xf32>, vector<3x128xf32>, vector<8192x128xf32> -> vector<8192x128xf32>
    %add3A = arith.addf %dot_general3A_8, %dot_general3A_13 : vector<8192x128xf32>
    %swap3A = arith.constant 0 : index
    %swap3A_14 = arith.constant 0 : index
    %swap3A_15 = vector.load %arg4[%swap3A, %swap3A_14] : memref<8192x128xf32, #tpu.memory_space<vmem>>, vector<8192x128xf32>
    tpu.vector_store %arg4[%swap3A, %swap3A_14], %add3A {strides = array<i32>} : memref<8192x128xf32, #tpu.memory_space<vmem>>, vector<8192x128xf32>,
    return
  }
}

module attributes {stable_mosaic.version = 14 : i64} {
  func.func @_pair_body(%arg0: i32, %arg1: i32, %arg2: memref<1x8192x128xf32, #tpu.memory_space<vmem>>, %arg3: memref<1x128x3xf32, #tpu.memory_space<vmem>>, %arg4: memref<1x128x64xf32, #tpu.memory_space<vmem>>, %arg5: memref<3x128xf32, #tpu.memory_space<vmem>>, %arg6: memref<1x128xf32, #tpu.memory_space<vmem>>, %arg7: memref<128x128xf32, #tpu.memory_space<vmem>>, %arg8: memref<1x128xf32, #tpu.memory_space<vmem>>, %arg9: memref<128x256xf32, #tpu.memory_space<vmem>>, %arg10: memref<1x256xf32, #tpu.memory_space<vmem>>, %arg11: memref<1x128x256xf32, #tpu.memory_space<vmem>>) attributes {dimension_semantics = [#tpu.dimension_semantics<arbitrary>, #tpu.dimension_semantics<arbitrary>], iteration_bounds = array<i64: 16, 1>, scalar_prefetch = 0 : i64, scratch_operands = 0 : i64, tpu.core_type = #tpu.core_type<tc>, window_params = [{transform_indices = @transform_0, window_bounds = array<i64: 1, 8192, 128>}, {transform_indices = @transform_1, window_bounds = array<i64: 1, 128, 3>}, {transform_indices = @transform_2, window_bounds = array<i64: 1, 128, 64>}, {pipeline_mode = #tpu.pipeline_mode<synchronous>, transform_indices = @transform_3, window_bounds = array<i64: 3, 128>}, {pipeline_mode = #tpu.pipeline_mode<synchronous>, transform_indices = @transform_4, window_bounds = array<i64: 1, 128>}, {pipeline_mode = #tpu.pipeline_mode<synchronous>, transform_indices = @transform_5, window_bounds = array<i64: 128, 128>}, {pipeline_mode = #tpu.pipeline_mode<synchronous>, transform_indices = @transform_6, window_bounds = array<i64: 1, 128>}, {pipeline_mode = #tpu.pipeline_mode<synchronous>, transform_indices = @transform_7, window_bounds = array<i64: 128, 256>}, {pipeline_mode = #tpu.pipeline_mode<synchronous>, transform_indices = @transform_8, window_bounds = array<i64: 1, 256>}, {transform_indices = @transform_9, window_bounds = array<i64: 1, 128, 256>}]} {
    %get3A = arith.constant 0 : index
    %get3A_0 = arith.constant 0 : index
    %get3A_1 = arith.constant 0 : index
    %get3A_2 = vector.load %arg3[%get3A, %get3A_0, %get3A_1] : memref<1x128x3xf32, #tpu.memory_space<vmem>>, vector<1x128x3xf32>
    %get3A_3 = vector.shape_cast %get3A_2 : vector<1x128x3xf32> to vector<128x3xf32>
    %get3A_4 = arith.constant 0 : index
    %get3A_5 = arith.constant 0 : index
    %get3A_6 = vector.load %arg6[%get3A_4, %get3A_5] : memref<1x128xf32, #tpu.memory_space<vmem>>, vector<1x128xf32>
    %get3A_7 = arith.constant 0 : index
    %get3A_8 = arith.constant 0 : index
    %get3A_9 = vector.load %arg5[%get3A_7, %get3A_8] : memref<3x128xf32, #tpu.memory_space<vmem>>, vector<3x128xf32>
    %dot_general3A = arith.constant dense<0.000000e+00> : vector<128x128xf32>
    %dot_general3A_10 = tpu.matmul %get3A_3, %get3A_9, %dot_general3A {dimension_numbers = #tpu.dot_dimension_numbers<[1], [0], [0], [1], [0, 0, 1, 1], [], []>, transpose_lhs_hint = false} : vector<128x3xf32>, vector<3x128xf32>, vector<128x128xf32> -> vector<128x128xf32>
    %sub3A = vector.broadcast %get3A_6 : vector<1x128xf32> to vector<128x128xf32>
    %sub3A_11 = arith.subf %sub3A, %dot_general3A_10 : vector<128x128xf32>
    %get3A_12 = arith.constant 0 : index
    %get3A_13 = arith.constant 0 : index
    %get3A_14 = arith.constant 0 : index
    %get3A_15 = vector.load %arg2[%get3A_12, %get3A_13, %get3A_14] : memref<1x8192x128xf32, #tpu.memory_space<vmem>>, vector<1x8192x128xf32>
    %get3A_16 = vector.shape_cast %get3A_15 : vector<1x8192x128xf32> to vector<8192x128xf32>
    %reshape3A = vector.shape_cast %get3A_16 : vector<8192x128xf32> to vector<128x64x128xf32>
    %broadcast_in_dim3A = vector.shape_cast %sub3A_11 : vector<128x128xf32> to vector<128x1x128xf32>
    %add3A = vector.broadcast %broadcast_in_dim3A : vector<128x1x128xf32> to vector<128x64x128xf32>
    %add3A_17 = arith.addf %reshape3A, %add3A : vector<128x64x128xf32>
    %max3A = arith.constant 0.000000e+00 : f32
    %max3A_18 = vector.broadcast %max3A : f32 to vector<128x64x128xf32>
    %max3A_19 = arith.maximumf %add3A_17, %max3A_18 : vector<128x64x128xf32>
    %reshape3A_20 = vector.shape_cast %max3A_19 : vector<128x64x128xf32> to vector<8192x128xf32>
    %get3A_21 = arith.constant 0 : index
    %get3A_22 = arith.constant 0 : index
    %get3A_23 = vector.load %arg7[%get3A_21, %get3A_22] : memref<128x128xf32, #tpu.memory_space<vmem>>, vector<128x128xf32>
    %dot_general3A_24 = arith.constant dense<0.000000e+00> : vector<8192x128xf32>
    %dot_general3A_25 = tpu.matmul %reshape3A_20, %get3A_23, %dot_general3A_24 {dimension_numbers = #tpu.dot_dimension_numbers<[1], [0], [0], [1], [0, 0, 1, 1], [], []>, transpose_lhs_hint = false} : vector<8192x128xf32>, vector<128x128xf32>, vector<8192x128xf32> -> vector<8192x128xf32>
    %get3A_26 = arith.constant 0 : index
    %get3A_27 = arith.constant 0 : index
    %get3A_28 = vector.load %arg8[%get3A_26, %get3A_27] : memref<1x128xf32, #tpu.memory_space<vmem>>, vector<1x128xf32>
    %add3A_29 = vector.broadcast %get3A_28 : vector<1x128xf32> to vector<8192x128xf32>
    %add3A_30 = arith.addf %dot_general3A_25, %add3A_29 : vector<8192x128xf32>
    %max3A_31 = arith.constant 0.000000e+00 : f32
    %max3A_32 = vector.broadcast %max3A_31 : f32 to vector<8192x128xf32>
    %max3A_33 = arith.maximumf %add3A_30, %max3A_32 : vector<8192x128xf32>
    %get3A_34 = arith.constant 0 : index
    %get3A_35 = arith.constant 0 : index
    %get3A_36 = vector.load %arg9[%get3A_34, %get3A_35] : memref<128x256xf32, #tpu.memory_space<vmem>>, vector<128x256xf32>
    %dot_general3A_37 = arith.constant dense<0.000000e+00> : vector<8192x256xf32>
    %dot_general3A_38 = tpu.matmul %max3A_33, %get3A_36, %dot_general3A_37 {dimension_numbers = #tpu.dot_dimension_numbers<[1], [0], [0], [1], [0, 0, 1, 1], [], []>, transpose_lhs_hint = false} : vector<8192x128xf32>, vector<128x256xf32>, vector<8192x256xf32> -> vector<8192x256xf32>
    %get3A_39 = arith.constant 0 : index
    %get3A_40 = arith.constant 0 : index
    %get3A_41 = vector.load %arg10[%get3A_39, %get3A_40] : memref<1x256xf32, #tpu.memory_space<vmem>>, vector<1x256xf32>
    %add3A_42 = vector.broadcast %get3A_41 : vector<1x256xf32> to vector<8192x256xf32>
    %add3A_43 = arith.addf %dot_general3A_38, %add3A_42 : vector<8192x256xf32>
    %reshape3A_44 = vector.shape_cast %add3A_43 : vector<8192x256xf32> to vector<128x64x256xf32>
    %get3A_45 = arith.constant 0 : index
    %get3A_46 = arith.constant 0 : index
    %get3A_47 = arith.constant 0 : index
    %get3A_48 = vector.load %arg4[%get3A_45, %get3A_46, %get3A_47] : memref<1x128x64xf32, #tpu.memory_space<vmem>>, vector<1x128x64xf32>
    %get3A_49 = vector.shape_cast %get3A_48 : vector<1x128x64xf32> to vector<128x64xf32>
    %broadcast_in_dim3A_50 = vector.shape_cast %get3A_49 : vector<128x64xf32> to vector<128x64x1xf32>
    %add3A_51 = vector.broadcast %broadcast_in_dim3A_50 : vector<128x64x1xf32> to vector<128x64x256xf32>
    %add3A_52 = arith.addf %reshape3A_44, %add3A_51 : vector<128x64x256xf32>
    %slice3A = vector.extract_strided_slice %add3A_52 {offsets = [0, 0, 0], sizes = [128, 32, 256], strides = [1, 1, 1]} : vector<128x64x256xf32> to vector<128x32x256xf32>
    %slice3A_53 = vector.extract_strided_slice %add3A_52 {offsets = [0, 32, 0], sizes = [128, 32, 256], strides = [1, 1, 1]} : vector<128x64x256xf32> to vector<128x32x256xf32>
    %max3A_54 = arith.maximumf %slice3A, %slice3A_53 : vector<128x32x256xf32>
    %slice3A_55 = vector.extract_strided_slice %max3A_54 {offsets = [0, 0, 0], sizes = [128, 16, 256], strides = [1, 1, 1]} : vector<128x32x256xf32> to vector<128x16x256xf32>
    %slice3A_56 = vector.extract_strided_slice %max3A_54 {offsets = [0, 16, 0], sizes = [128, 16, 256], strides = [1, 1, 1]} : vector<128x32x256xf32> to vector<128x16x256xf32>
    %max3A_57 = arith.maximumf %slice3A_55, %slice3A_56 : vector<128x16x256xf32>
    %slice3A_58 = vector.extract_strided_slice %max3A_57 {offsets = [0, 0, 0], sizes = [128, 8, 256], strides = [1, 1, 1]} : vector<128x16x256xf32> to vector<128x8x256xf32>
    %slice3A_59 = vector.extract_strided_slice %max3A_57 {offsets = [0, 8, 0], sizes = [128, 8, 256], strides = [1, 1, 1]} : vector<128x16x256xf32> to vector<128x8x256xf32>
    %max3A_60 = arith.maximumf %slice3A_58, %slice3A_59 : vector<128x8x256xf32>
    %slice3A_61 = vector.extract_strided_slice %max3A_60 {offsets = [0, 0, 0], sizes = [128, 4, 256], strides = [1, 1, 1]} : vector<128x8x256xf32> to vector<128x4x256xf32>
    %slice3A_62 = vector.extract_strided_slice %max3A_60 {offsets = [0, 4, 0], sizes = [128, 4, 256], strides = [1, 1, 1]} : vector<128x8x256xf32> to vector<128x4x256xf32>
    %max3A_63 = arith.maximumf %slice3A_61, %slice3A_62 : vector<128x4x256xf32>
    %slice3A_64 = vector.extract_strided_slice %max3A_63 {offsets = [0, 0, 0], sizes = [128, 2, 256], strides = [1, 1, 1]} : vector<128x4x256xf32> to vector<128x2x256xf32>
    %slice3A_65 = vector.extract_strided_slice %max3A_63 {offsets = [0, 2, 0], sizes = [128, 2, 256], strides = [1, 1, 1]} : vector<128x4x256xf32> to vector<128x2x256xf32>
    %max3A_66 = arith.maximumf %slice3A_64, %slice3A_65 : vector<128x2x256xf32>
    %slice3A_67 = vector.extract_strided_slice %max3A_66 {offsets = [0, 0, 0], sizes = [128, 1, 256], strides = [1, 1, 1]} : vector<128x2x256xf32> to vector<128x1x256xf32>
    %slice3A_68 = vector.extract_strided_slice %max3A_66 {offsets = [0, 1, 0], sizes = [128, 1, 256], strides = [1, 1, 1]} : vector<128x2x256xf32> to vector<128x1x256xf32>
    %max3A_69 = arith.maximumf %slice3A_67, %slice3A_68 : vector<128x1x256xf32>
    %squeeze3A = vector.shape_cast %max3A_69 : vector<128x1x256xf32> to vector<128x256xf32>
    %swap3A = arith.constant 0 : index
    %swap3A_70 = arith.constant 0 : index
    %swap3A_71 = arith.constant 0 : index
    %swap3A_72 = vector.load %arg11[%swap3A, %swap3A_70, %swap3A_71] : memref<1x128x256xf32, #tpu.memory_space<vmem>>, vector<1x128x256xf32>
    %swap3A_73 = vector.shape_cast %swap3A_72 : vector<1x128x256xf32> to vector<128x256xf32>
    %swap3A_74 = vector.shape_cast %squeeze3A : vector<128x256xf32> to vector<1x128x256xf32>
    tpu.vector_store %arg11[%swap3A, %swap3A_70, %swap3A_71], %swap3A_74 {strides = array<i32>} : memref<1x128x256xf32, #tpu.memory_space<vmem>>, vector<1x128x256xf32>,
    return
  }
  func.func @transform_0(%arg0: i32, %arg1: i32) -> (i32, i32, i32) {
    %c0_i32 = arith.constant 0 : i32
    %c0_i32_0 = arith.constant 0 : i32
    return %arg0, %arg1, %c0_i32 : i32, i32, i32
  }
  func.func @transform_1(%arg0: i32, %arg1: i32) -> (i32, i32, i32) {
    %c0_i32 = arith.constant 0 : i32
    %c0_i32_0 = arith.constant 0 : i32
    return %arg0, %arg1, %c0_i32 : i32, i32, i32
  }
  func.func @transform_2(%arg0: i32, %arg1: i32) -> (i32, i32, i32) {
    %c0_i32 = arith.constant 0 : i32
    %c0_i32_0 = arith.constant 0 : i32
    return %arg0, %arg1, %c0_i32 : i32, i32, i32
  }
  func.func @transform_3(%arg0: i32, %arg1: i32) -> (i32, i32) {
    %c0_i32 = arith.constant 0 : i32
    %c0_i32_0 = arith.constant 0 : i32
    %c0_i32_1 = arith.constant 0 : i32
    return %c0_i32, %c0_i32_0 : i32, i32
  }
  func.func @transform_4(%arg0: i32, %arg1: i32) -> (i32, i32) {
    %c0_i32 = arith.constant 0 : i32
    %c0_i32_0 = arith.constant 0 : i32
    %c0_i32_1 = arith.constant 0 : i32
    return %c0_i32, %c0_i32_0 : i32, i32
  }
  func.func @transform_5(%arg0: i32, %arg1: i32) -> (i32, i32) {
    %c0_i32 = arith.constant 0 : i32
    %c0_i32_0 = arith.constant 0 : i32
    %c0_i32_1 = arith.constant 0 : i32
    return %c0_i32, %c0_i32_0 : i32, i32
  }
  func.func @transform_6(%arg0: i32, %arg1: i32) -> (i32, i32) {
    %c0_i32 = arith.constant 0 : i32
    %c0_i32_0 = arith.constant 0 : i32
    %c0_i32_1 = arith.constant 0 : i32
    return %c0_i32, %c0_i32_0 : i32, i32
  }
  func.func @transform_7(%arg0: i32, %arg1: i32) -> (i32, i32) {
    %c0_i32 = arith.constant 0 : i32
    %c0_i32_0 = arith.constant 0 : i32
    %c0_i32_1 = arith.constant 0 : i32
    return %c0_i32, %c0_i32_0 : i32, i32
  }
  func.func @transform_8(%arg0: i32, %arg1: i32) -> (i32, i32) {
    %c0_i32 = arith.constant 0 : i32
    %c0_i32_0 = arith.constant 0 : i32
    %c0_i32_1 = arith.constant 0 : i32
    return %c0_i32, %c0_i32_0 : i32, i32
  }
  func.func @transform_9(%arg0: i32, %arg1: i32) -> (i32, i32, i32) {
    %c0_i32 = arith.constant 0 : i32
    %c0_i32_0 = arith.constant 0 : i32
    return %arg0, %arg1, %c0_i32 : i32, i32, i32
  }
}

module attributes {stable_mosaic.version = 14 : i64} {
  func.func @_sa3_body(%arg0: memref<2048x256xf32, #tpu.memory_space<vmem>>, %arg1: memref<2048x3xf32, #tpu.memory_space<vmem>>, %arg2: memref<256x256xf32, #tpu.memory_space<vmem>>, %arg3: memref<3x256xf32, #tpu.memory_space<vmem>>, %arg4: memref<1x256xf32, #tpu.memory_space<vmem>>, %arg5: memref<256x512xf32, #tpu.memory_space<vmem>>, %arg6: memref<1x512xf32, #tpu.memory_space<vmem>>, %arg7: memref<512x1024xf32, #tpu.memory_space<vmem>>, %arg8: memref<1x1024xf32, #tpu.memory_space<vmem>>, %arg9: memref<1024x512xf32, #tpu.memory_space<vmem>>, %arg10: memref<1x512xf32, #tpu.memory_space<vmem>>, %arg11: memref<512x256xf32, #tpu.memory_space<vmem>>, %arg12: memref<1x256xf32, #tpu.memory_space<vmem>>, %arg13: memref<256x40xf32, #tpu.memory_space<vmem>>, %arg14: memref<1x40xf32, #tpu.memory_space<vmem>>, %arg15: memref<16x40xf32, #tpu.memory_space<vmem>>) attributes {dimension_semantics = [], scalar_prefetch = 0 : i64, scratch_operands = 0 : i64, tpu.core_type = #tpu.core_type<tc>} {
    %get3A = arith.constant 0 : index
    %get3A_0 = arith.constant 0 : index
    %get3A_1 = vector.load %arg0[%get3A, %get3A_0] : memref<2048x256xf32, #tpu.memory_space<vmem>>, vector<2048x256xf32>
    %get3A_2 = arith.constant 0 : index
    %get3A_3 = arith.constant 0 : index
    %get3A_4 = vector.load %arg1[%get3A_2, %get3A_3] : memref<2048x3xf32, #tpu.memory_space<vmem>>, vector<2048x3xf32>
    %get3A_5 = arith.constant 0 : index
    %get3A_6 = arith.constant 0 : index
    %get3A_7 = vector.load %arg2[%get3A_5, %get3A_6] : memref<256x256xf32, #tpu.memory_space<vmem>>, vector<256x256xf32>
    %dot_general3A = arith.constant dense<0.000000e+00> : vector<2048x256xf32>
    %dot_general3A_8 = tpu.matmul %get3A_1, %get3A_7, %dot_general3A {dimension_numbers = #tpu.dot_dimension_numbers<[1], [0], [0], [1], [0, 0, 1, 1], [], []>, transpose_lhs_hint = false} : vector<2048x256xf32>, vector<256x256xf32>, vector<2048x256xf32> -> vector<2048x256xf32>
    %get3A_9 = arith.constant 0 : index
    %get3A_10 = arith.constant 0 : index
    %get3A_11 = vector.load %arg3[%get3A_9, %get3A_10] : memref<3x256xf32, #tpu.memory_space<vmem>>, vector<3x256xf32>
    %dot_general3A_12 = arith.constant dense<0.000000e+00> : vector<2048x256xf32>
    %dot_general3A_13 = tpu.matmul %get3A_4, %get3A_11, %dot_general3A_12 {dimension_numbers = #tpu.dot_dimension_numbers<[1], [0], [0], [1], [0, 0, 1, 1], [], []>, transpose_lhs_hint = false} : vector<2048x3xf32>, vector<3x256xf32>, vector<2048x256xf32> -> vector<2048x256xf32>
    %add3A = arith.addf %dot_general3A_8, %dot_general3A_13 : vector<2048x256xf32>
    %get3A_14 = arith.constant 0 : index
    %get3A_15 = arith.constant 0 : index
    %get3A_16 = vector.load %arg4[%get3A_14, %get3A_15] : memref<1x256xf32, #tpu.memory_space<vmem>>, vector<1x256xf32>
    %add3A_17 = vector.broadcast %get3A_16 : vector<1x256xf32> to vector<2048x256xf32>
    %add3A_18 = arith.addf %add3A, %add3A_17 : vector<2048x256xf32>
    %max3A = arith.constant 0.000000e+00 : f32
    %max3A_19 = vector.broadcast %max3A : f32 to vector<2048x256xf32>
    %max3A_20 = arith.maximumf %add3A_18, %max3A_19 : vector<2048x256xf32>
    %get3A_21 = arith.constant 0 : index
    %get3A_22 = arith.constant 0 : index
    %get3A_23 = vector.load %arg5[%get3A_21, %get3A_22] : memref<256x512xf32, #tpu.memory_space<vmem>>, vector<256x512xf32>
    %dot_general3A_24 = arith.constant dense<0.000000e+00> : vector<2048x512xf32>
    %dot_general3A_25 = tpu.matmul %max3A_20, %get3A_23, %dot_general3A_24 {dimension_numbers = #tpu.dot_dimension_numbers<[1], [0], [0], [1], [0, 0, 1, 1], [], []>, transpose_lhs_hint = false} : vector<2048x256xf32>, vector<256x512xf32>, vector<2048x512xf32> -> vector<2048x512xf32>
    %get3A_26 = arith.constant 0 : index
    %get3A_27 = arith.constant 0 : index
    %get3A_28 = vector.load %arg6[%get3A_26, %get3A_27] : memref<1x512xf32, #tpu.memory_space<vmem>>, vector<1x512xf32>
    %add3A_29 = vector.broadcast %get3A_28 : vector<1x512xf32> to vector<2048x512xf32>
    %add3A_30 = arith.addf %dot_general3A_25, %add3A_29 : vector<2048x512xf32>
    %max3A_31 = arith.constant 0.000000e+00 : f32
    %max3A_32 = vector.broadcast %max3A_31 : f32 to vector<2048x512xf32>
    %max3A_33 = arith.maximumf %add3A_30, %max3A_32 : vector<2048x512xf32>
    %get3A_34 = arith.constant 0 : index
    %get3A_35 = arith.constant 0 : index
    %get3A_36 = vector.load %arg7[%get3A_34, %get3A_35] : memref<512x1024xf32, #tpu.memory_space<vmem>>, vector<512x1024xf32>
    %dot_general3A_37 = arith.constant dense<0.000000e+00> : vector<2048x1024xf32>
    %dot_general3A_38 = tpu.matmul %max3A_33, %get3A_36, %dot_general3A_37 {dimension_numbers = #tpu.dot_dimension_numbers<[1], [0], [0], [1], [0, 0, 1, 1], [], []>, transpose_lhs_hint = false} : vector<2048x512xf32>, vector<512x1024xf32>, vector<2048x1024xf32> -> vector<2048x1024xf32>
    %get3A_39 = arith.constant 0 : index
    %get3A_40 = arith.constant 0 : index
    %get3A_41 = vector.load %arg8[%get3A_39, %get3A_40] : memref<1x1024xf32, #tpu.memory_space<vmem>>, vector<1x1024xf32>
    %add3A_42 = vector.broadcast %get3A_41 : vector<1x1024xf32> to vector<2048x1024xf32>
    %add3A_43 = arith.addf %dot_general3A_38, %add3A_42 : vector<2048x1024xf32>
    %reshape3A = vector.shape_cast %add3A_43 : vector<2048x1024xf32> to vector<16x128x1024xf32>
    %slice3A = vector.extract_strided_slice %reshape3A {offsets = [0, 0, 0], sizes = [16, 64, 1024], strides = [1, 1, 1]} : vector<16x128x1024xf32> to vector<16x64x1024xf32>
    %slice3A_44 = vector.extract_strided_slice %reshape3A {offsets = [0, 64, 0], sizes = [16, 64, 1024], strides = [1, 1, 1]} : vector<16x128x1024xf32> to vector<16x64x1024xf32>
    %max3A_45 = arith.maximumf %slice3A, %slice3A_44 : vector<16x64x1024xf32>
    %slice3A_46 = vector.extract_strided_slice %max3A_45 {offsets = [0, 0, 0], sizes = [16, 32, 1024], strides = [1, 1, 1]} : vector<16x64x1024xf32> to vector<16x32x1024xf32>
    %slice3A_47 = vector.extract_strided_slice %max3A_45 {offsets = [0, 32, 0], sizes = [16, 32, 1024], strides = [1, 1, 1]} : vector<16x64x1024xf32> to vector<16x32x1024xf32>
    %max3A_48 = arith.maximumf %slice3A_46, %slice3A_47 : vector<16x32x1024xf32>
    %slice3A_49 = vector.extract_strided_slice %max3A_48 {offsets = [0, 0, 0], sizes = [16, 16, 1024], strides = [1, 1, 1]} : vector<16x32x1024xf32> to vector<16x16x1024xf32>
    %slice3A_50 = vector.extract_strided_slice %max3A_48 {offsets = [0, 16, 0], sizes = [16, 16, 1024], strides = [1, 1, 1]} : vector<16x32x1024xf32> to vector<16x16x1024xf32>
    %max3A_51 = arith.maximumf %slice3A_49, %slice3A_50 : vector<16x16x1024xf32>
    %slice3A_52 = vector.extract_strided_slice %max3A_51 {offsets = [0, 0, 0], sizes = [16, 8, 1024], strides = [1, 1, 1]} : vector<16x16x1024xf32> to vector<16x8x1024xf32>
    %slice3A_53 = vector.extract_strided_slice %max3A_51 {offsets = [0, 8, 0], sizes = [16, 8, 1024], strides = [1, 1, 1]} : vector<16x16x1024xf32> to vector<16x8x1024xf32>
    %max3A_54 = arith.maximumf %slice3A_52, %slice3A_53 : vector<16x8x1024xf32>
    %slice3A_55 = vector.extract_strided_slice %max3A_54 {offsets = [0, 0, 0], sizes = [16, 4, 1024], strides = [1, 1, 1]} : vector<16x8x1024xf32> to vector<16x4x1024xf32>
    %slice3A_56 = vector.extract_strided_slice %max3A_54 {offsets = [0, 4, 0], sizes = [16, 4, 1024], strides = [1, 1, 1]} : vector<16x8x1024xf32> to vector<16x4x1024xf32>
    %max3A_57 = arith.maximumf %slice3A_55, %slice3A_56 : vector<16x4x1024xf32>
    %slice3A_58 = vector.extract_strided_slice %max3A_57 {offsets = [0, 0, 0], sizes = [16, 2, 1024], strides = [1, 1, 1]} : vector<16x4x1024xf32> to vector<16x2x1024xf32>
    %slice3A_59 = vector.extract_strided_slice %max3A_57 {offsets = [0, 2, 0], sizes = [16, 2, 1024], strides = [1, 1, 1]} : vector<16x4x1024xf32> to vector<16x2x1024xf32>
    %max3A_60 = arith.maximumf %slice3A_58, %slice3A_59 : vector<16x2x1024xf32>
    %slice3A_61 = vector.extract_strided_slice %max3A_60 {offsets = [0, 0, 0], sizes = [16, 1, 1024], strides = [1, 1, 1]} : vector<16x2x1024xf32> to vector<16x1x1024xf32>
    %slice3A_62 = vector.extract_strided_slice %max3A_60 {offsets = [0, 1, 0], sizes = [16, 1, 1024], strides = [1, 1, 1]} : vector<16x2x1024xf32> to vector<16x1x1024xf32>
    %max3A_63 = arith.maximumf %slice3A_61, %slice3A_62 : vector<16x1x1024xf32>
    %squeeze3A = vector.shape_cast %max3A_63 : vector<16x1x1024xf32> to vector<16x1024xf32>
    %get3A_64 = arith.constant 0 : index
    %get3A_65 = arith.constant 0 : index
    %get3A_66 = vector.load %arg9[%get3A_64, %get3A_65] : memref<1024x512xf32, #tpu.memory_space<vmem>>, vector<1024x512xf32>
    %dot_general3A_67 = arith.constant dense<0.000000e+00> : vector<16x512xf32>
    %dot_general3A_68 = tpu.matmul %squeeze3A, %get3A_66, %dot_general3A_67 {dimension_numbers = #tpu.dot_dimension_numbers<[1], [0], [0], [1], [0, 0, 1, 1], [], []>, transpose_lhs_hint = false} : vector<16x1024xf32>, vector<1024x512xf32>, vector<16x512xf32> -> vector<16x512xf32>
    %get3A_69 = arith.constant 0 : index
    %get3A_70 = arith.constant 0 : index
    %get3A_71 = vector.load %arg10[%get3A_69, %get3A_70] : memref<1x512xf32, #tpu.memory_space<vmem>>, vector<1x512xf32>
    %add3A_72 = vector.broadcast %get3A_71 : vector<1x512xf32> to vector<16x512xf32>
    %add3A_73 = arith.addf %dot_general3A_68, %add3A_72 : vector<16x512xf32>
    %max3A_74 = arith.constant 0.000000e+00 : f32
    %max3A_75 = vector.broadcast %max3A_74 : f32 to vector<16x512xf32>
    %max3A_76 = arith.maximumf %add3A_73, %max3A_75 : vector<16x512xf32>
    %get3A_77 = arith.constant 0 : index
    %get3A_78 = arith.constant 0 : index
    %get3A_79 = vector.load %arg11[%get3A_77, %get3A_78] : memref<512x256xf32, #tpu.memory_space<vmem>>, vector<512x256xf32>
    %dot_general3A_80 = arith.constant dense<0.000000e+00> : vector<16x256xf32>
    %dot_general3A_81 = tpu.matmul %max3A_76, %get3A_79, %dot_general3A_80 {dimension_numbers = #tpu.dot_dimension_numbers<[1], [0], [0], [1], [0, 0, 1, 1], [], []>, transpose_lhs_hint = false} : vector<16x512xf32>, vector<512x256xf32>, vector<16x256xf32> -> vector<16x256xf32>
    %get3A_82 = arith.constant 0 : index
    %get3A_83 = arith.constant 0 : index
    %get3A_84 = vector.load %arg12[%get3A_82, %get3A_83] : memref<1x256xf32, #tpu.memory_space<vmem>>, vector<1x256xf32>
    %add3A_85 = vector.broadcast %get3A_84 : vector<1x256xf32> to vector<16x256xf32>
    %add3A_86 = arith.addf %dot_general3A_81, %add3A_85 : vector<16x256xf32>
    %max3A_87 = arith.constant 0.000000e+00 : f32
    %max3A_88 = vector.broadcast %max3A_87 : f32 to vector<16x256xf32>
    %max3A_89 = arith.maximumf %add3A_86, %max3A_88 : vector<16x256xf32>
    %get3A_90 = arith.constant 0 : index
    %get3A_91 = arith.constant 0 : index
    %get3A_92 = vector.load %arg13[%get3A_90, %get3A_91] : memref<256x40xf32, #tpu.memory_space<vmem>>, vector<256x40xf32>
    %dot_general3A_93 = arith.constant dense<0.000000e+00> : vector<16x40xf32>
    %dot_general3A_94 = tpu.matmul %max3A_89, %get3A_92, %dot_general3A_93 {dimension_numbers = #tpu.dot_dimension_numbers<[1], [0], [0], [1], [0, 0, 1, 1], [], []>, transpose_lhs_hint = false} : vector<16x256xf32>, vector<256x40xf32>, vector<16x40xf32> -> vector<16x40xf32>
    %get3A_95 = arith.constant 0 : index
    %get3A_96 = arith.constant 0 : index
    %get3A_97 = vector.load %arg14[%get3A_95, %get3A_96] : memref<1x40xf32, #tpu.memory_space<vmem>>, vector<1x40xf32>
    %add3A_98 = vector.broadcast %get3A_97 : vector<1x40xf32> to vector<16x40xf32>
    %add3A_99 = arith.addf %dot_general3A_94, %add3A_98 : vector<16x40xf32>
    %reduce_max3A = arith.constant dense<0xFF800000> : vector<16xf32>
    %reduce_max3A_100 = vector.multi_reduction <maximumf>, %add3A_99, %reduce_max3A [1] : vector<16x40xf32> to vector<16xf32>
    %broadcast_in_dim3A = vector.shape_cast %reduce_max3A_100 : vector<16xf32> to vector<16x1xf32>
    %sub3A = vector.broadcast %broadcast_in_dim3A : vector<16x1xf32> to vector<16x40xf32>
    %sub3A_101 = arith.subf %add3A_99, %sub3A : vector<16x40xf32>
    %exp3A = math.exp %sub3A_101 : vector<16x40xf32>
    %reduce_sum3A = arith.constant dense<0.000000e+00> : vector<16xf32>
    %reduce_sum3A_102 = vector.multi_reduction <add>, %exp3A, %reduce_sum3A [1] : vector<16x40xf32> to vector<16xf32>
    %broadcast_in_dim3A_103 = vector.shape_cast %reduce_sum3A_102 : vector<16xf32> to vector<16x1xf32>
    %log3A = math.log %broadcast_in_dim3A_103 : vector<16x1xf32>
    %add3A_104 = arith.addf %log3A, %broadcast_in_dim3A : vector<16x1xf32>
    %sub3A_105 = vector.broadcast %add3A_104 : vector<16x1xf32> to vector<16x40xf32>
    %sub3A_106 = arith.subf %add3A_99, %sub3A_105 : vector<16x40xf32>
    %swap3A = arith.constant 0 : index
    %swap3A_107 = arith.constant 0 : index
    %swap3A_108 = vector.load %arg15[%swap3A, %swap3A_107] : memref<16x40xf32, #tpu.memory_space<vmem>>, vector<16x40xf32>
    tpu.vector_store %arg15[%swap3A, %swap3A_107], %sub3A_106 {strides = array<i32>} : memref<16x40xf32, #tpu.memory_space<vmem>>, vector<16x40xf32>,
    return
  }
}

</mosaic_0001>

<sc_bundles>
// kernel: kernel.11.cloned.1.call-start
scs
__scs_entry_jumppad:
0x0: {  	(pc) =	sbr.rel $0x88, $3  }
0x1: {  	(tag) =	ssettag $0x0;
	lr =	simm.s32 $0x1  }
0x2: {  	[smem:$0x3F77] =	sst lr;
	_ =	strace $0xD0000000  }
0x3: {  	_ = 	snop  }
0x4: {  	_ = 	snop  }
0x5: {  	_ = 	snop  }
0x6: {  	_ = 	snop  }
0x7: {  	_ = 	snop  }
__scs_overlays_trampoline_lowered:
0x8: {  	[smem:$0x3F86] =	sst s0  }
0x9: {  	[smem:$0x3F87] =	sst s1  }
0xa: {  	[smem:$0x3F88] =	sst s2  }
0xb: {  	[smem:$0x3F89] =	sst s3  }
0xc: {  	[smem:$0x3F8A] =	sst s4  }
0xd: {  	[smem:$0x3F8B] =	sst s5  }
0xe: {  	[smem:$0x3F8C] =	sst s6  }
0xf: {  	[smem:$0x3F8D] =	sst s7  }
0x10: {  	[smem:$0x3F8E] =	sst s8  }
0x11: {  	[smem:$0x3F8F] =	sst s9;
	s0 =	simm.s32 @!p0 $0x0  }
0x12: {  	s1 =	sld [smem:$0x3F75];
	s0 =	simm.s32 @p0 $0x1  }
0x13: {  	[smem:$0x3F90] =	sst s0;
	s0 =	simm.s32 @!p1 $0x0  }
0x14: {  	s2 =	sld [smem:$0x3F74];
	s0 =	simm.s32 @p1 $0x1  }
0x15: {  	[smem:$0x3F91] =	sst s0;
	s0 =	simm.s32 @!p2 $0x0  }
0x16: {  	s3 =	sld [smem:$0x3FDB];
	s0 =	simm.s32 @p2 $0x1  }
0x17: {  	s4 =	simm.s32 $0x1BF5;
	[smem:$0x3F93] =	sst s0  }
0x18: {  	s0 =	sld [smem:$0x3F76];
	_ =	swait.ge [sflag:s4], $0x0  }
0x19: {  	s7 =	sld [smem:$0x3F77]  }
0x1a: {  	s8 =	sadd.s32 $0xFFFFE003, lr  }
0x1b: {  	s9 =	sadd.s32 $0xFFFFFEF7, lr;
	s5 =	simm.s32 $0xFFFFFFFF;
	p2 =	slt.u32 s8, $0xFFFFF086  }
0x1c: {  	p1 =	slt.u32 s9, $0xF7A;
	s5 =	simm.s32 @!p2 $0x0  }
0x1d: {  	s5 =	simm.s32 @p1 $0x1;
	p0 =	seq.s32 s7, s2  }
0x1e: {  	s7 =	smul.u32 @!p0 $0xF7A, s2;
	p2 =	seq.s32 @!p0 s5, $0x0  }
0x1f: {  	s9 =	smul.u32 $0xF7A, s1;
	s8 =	simm.s32 @!p0 $0x1BF5;
	p2 =	por !p2, p0  }
0x20: {  	[sflag:s8] =	ssyncset.s32 @!p0 $0xFFFFF086;
	s6 =	sadd.s32 @!p0 s3, s7;
	s7 =	simm.s32 @!p0 $0x108  }
0x21: {  	s3 =	sadd.s32 s3, s9;
	s6 =	sadd.s32 @!p0 $0x88, s6;
	s7 =	simm.s32 @p2 $0x1082  }
0x22: {  	[simem:s7], [sflag:s8] =	dma.local @!p0 [hbm:s6], $0xF7A  }
0x23: {  	s9 =	sor.u32 $0xD0000000, s2;
	s6 =	simm.s32 $0x108;
	_ =	swait.ge @!p0 [sflag:s8], $0x0  }
0x24: {  	s3 =	sadd.s32 $0x88, s3;
	s6 =	simm.s32 @!p1 $0x1082;
	[sflag:s4] =	ssyncset.s32 $0xFFFFF086  }
0x25: {  	[simem:s6], [sflag:s4] =	dma.local [hbm:s3], $0xF7A  }
0x26: {  	[smem:$0x3F77] =	sst s1;
	(tag) =	ssettag s2;
	_ =	strace s9  }
0x27: {  	s1 =	sld [smem:$0x3F87]  }
0x28: {  	s2 =	sld [smem:$0x3F88]  }
0x29: {  	s4 =	sld [smem:$0x3F8A]  }
0x2a: {  	p0 =	seq.s32 s5, $0x0;
	s5 =	sld [smem:$0x3F8B]  }
0x2b: {  	s6 =	sld [smem:$0x3F8C]  }
0x2c: {  	s7 =	sld [smem:$0x3F8D]  }
0x2d: {  	s3 =	simm.s32 $0x108;
	s8 =	sld [smem:$0x3F8E]  }
0x2e: {  	s3 =	simm.s32 @!p0 $0x1082;
	s9 =	sld [smem:$0x3F8F]  }
0x2f: {  	lr =	sadd.s32 s0, s3;
	s0 =	sld [smem:$0x3F86]  }
0x30: {  	s3 =	sld [smem:$0x3F89]  }
0x31: {  	[smem:$0x3F92] =	sst s10  }
0x32: {  	s10 =	sld [smem:$0x3F90];
	_ =	sdelay $0x3  }
0x33: {  	p0 =	seq.s32 s10, $0x1;
	s10 =	sld [smem:$0x3F92];
	_ =	sdelay $0x3  }
0x34: {  	[smem:$0x3F92] =	sst s10  }
0x35: {  	s10 =	sld [smem:$0x3F91];
	_ =	sdelay $0x3  }
0x36: {  	p1 =	seq.s32 s10, $0x1;
	s10 =	sld [smem:$0x3F92];
	_ =	sdelay $0x3  }
0x37: {  	[smem:$0x3F92] =	sst s10  }
0x38: {  	s10 =	sld [smem:$0x3F93]  }
0x39: {  	_ = 	snop;
	(pc) =	sbr.ind lr, $3  }
0x3a: {  	_ = 	snop  }
0x3b: {  	_ = 	snop  }
0x3c: {  	p2 =	seq.s32 s10, $0x1;
	s10 =	sld [smem:$0x3F92]  }
0x3d: {  	_ =	shalt  }
0x3e: {  	_ =	shalt  }
0x3f: {  	_ =	shalt  }
0x40: {  	_ =	shalt  }
0x41: {  	_ =	shalt  }
0x42: {  	_ =	shalt  }
0x43: {  	_ =	shalt  }
0x44: {  	_ =	shalt  }
0x45: {  	_ =	shalt  }
0x46: {  	_ =	shalt  }
0x47: {  	_ =	shalt  }
0x48: {  	_ =	shalt  }
0x49: {  	_ =	shalt  }
0x4a: {  	_ =	shalt  }
0x4b: {  	_ =	shalt  }
0x4c: {  	_ =	shalt  }
0x4d: {  	_ =	shalt  }
0x4e: {  	_ =	shalt  }
0x4f: {  	_ =	shalt  }
0x50: {  	_ =	shalt  }
0x51: {  	_ =	shalt  }
0x52: {  	_ =	shalt  }
0x53: {  	_ =	shalt  }
0x54: {  	_ =	shalt  }
0x55: {  	_ =	shalt  }
0x56: {  	_ =	shalt  }
0x57: {  	_ =	shalt  }
0x58: {  	_ =	shalt  }
0x59: {  	_ =	shalt  }
0x5a: {  	_ =	shalt  }
0x5b: {  	_ =	shalt  }
0x5c: {  	_ =	shalt  }
0x5d: {  	_ =	shalt  }
0x5e: {  	_ =	shalt  }
0x5f: {  	_ =	shalt  }
0x60: {  	_ =	shalt  }
0x61: {  	_ =	shalt  }
0x62: {  	_ =	shalt  }
0x63: {  	_ =	shalt  }
0x64: {  	_ =	shalt  }
0x65: {  	_ =	shalt  }
0x66: {  	_ =	shalt  }
0x67: {  	_ =	shalt  }
0x68: {  	_ =	shalt  }
0x69: {  	_ =	shalt  }
0x6a: {  	_ =	shalt  }
0x6b: {  	_ =	shalt  }
0x6c: {  	_ =	shalt  }
0x6d: {  	_ =	shalt  }
0x6e: {  	_ =	shalt  }
0x6f: {  	_ =	shalt  }
0x70: {  	_ =	shalt  }
0x71: {  	_ =	shalt  }
0x72: {  	_ =	shalt  }
0x73: {  	_ =	shalt  }
0x74: {  	_ =	shalt  }
0x75: {  	_ =	shalt  }
0x76: {  	_ =	shalt  }
0x77: {  	_ =	shalt  }
0x78: {  	_ =	shalt  }
0x79: {  	_ =	shalt  }
0x7a: {  	_ =	shalt  }
0x7b: {  	_ =	shalt  }
0x7c: {  	_ =	shalt  }
0x7d: {  	_ =	shalt  }
0x7e: {  	_ =	shalt  }
0x7f: {  	_ =	shalt  }
0x80: {  	_ =	shalt  }
0x81: {  	_ =	shalt  }
0x82: {  	_ =	shalt  }
0x83: {  	_ =	shalt  }
0x84: {  	_ =	shalt  }
0x85: {  	_ =	shalt  }
0x86: {  	_ =	shalt  }
0x87: {  	_ =	shalt  }
.Lfunc_end0:
.L_simem_size_0:
called_computation.1_lowered:
.L_overlay_start_0:
0x88: {  	s2 =	sld [smem:$0x3FD9]  }
0x89: {  	s3 =	sld [smem:$0x3FFE];
	_ =	sdelay $0x1  }
0x8a: {  	s1 =	srdreg.scid  }
0x8b: {  	s0 =	sand.u32 $0x1, s1  }
0x8c: {  	s16 =	sshll.u32 s0, $0xA;
	s2 =	sadd.s32 s3, s2  }
0x8d: {  	s2 =	sadd.s32 s2, s16  }
0x8e: {  	[smem:$0x3F9E] =	sst s2  }
0x8f: {  	_ = 	snop  }
0x90: {  	(tm) =	ssettm $0x1  }
0x91: {  	s17 =	sld [smem:$0x3FFB];
	_ =	sdelay $0x3  }
0x92: {  	_ =	strace s17  }
0x93: {  	s2 =	sld [smem:$0x3FFC];
	_ =	sdelay $0x3  }
0x94: {  	_ =	strace s2  }
0x95: {  	s2 =	sld [smem:$0x3FFD];
	_ =	sdelay $0x3  }
0x96: {  	_ =	strace s2  }
0x97: {  	_ =	strace $0x8FFFFFFF  }
0x98: {  	s18 =	sld [smem:$0x3FDB];
	_ =	sdelay $0x1  }
0x99: {  	s19 =	simm.s32 $_scs_section_size  }
0x9a: {  	s4 =	simm.s32 $_size__tile_overlayer_lowered;
	s5 =	simm.s32 $_tile_overlayer_lowered  }
0x9b: {  	s22 =	simm.s32 $0x1BFF;
	s21 =	sshll.u32 s5, $0x1;
	s2 =	sadd.s32 s19, s18  }
0x9c: {  	s6 =	simm.s32 $0x0;
	s20 =	sshll.u32 s4, $0x1;
	s4 =	sadd.s32 s21, s2  }
0x9d: {  	[timem:s6], [sflag:s22] =	dma.local [hbm:s4], s20  }
0x9e: {  	_ =	swait.ge [sflag:s22], s20  }
0x9f: {  	s3 =	ssub.s32 $0x0, s20;
	[sflag:s22] =	ssyncset.done $0x0  }
0xa0: {  	[sflag:s22] =	ssyncadd.s32 s3;
	_ =	sdelay $0x1  }
0xa1: {  	s23 =	simm.s32 $0x1B8B  }
0xa2: {  	_ =	swait.ge [sflag:s23], $0x1  }
0xa3: {  	[sflag:s23] =	ssyncset.done $0x0  }
0xa4: {  	s25 =	simm.s32 $0x1B8E;
	s24 =	sld [smem:$0x3FFE];
	[sflag:s23] =	ssyncadd.s32 $0xFFFFFFFF  }
0xa5: {  	s26 =	simm.s32 $execute0_lowered;
	[smem:$0x3FD2] =	sst s25  }
0xa6: {  	s4 =	sshll.u32 s26, $0x1;
	_ =	strace $0x80000049;
	[dreg:$0x1] =	wrdreg $0xFFFFFFFF  }
0xa7: {  	s28 =	simm.s32 $_size_execute0_lowered;
	s2 =	sadd.s32 s2, s4;
	[dreg:$0x0] =	wrdreg $0x0  }
0xa8: {  	s4 =	sshll.u32 s28, $0x1;
	[dreg:$0x2] =	wrdreg s2  }
0xa9: {  	[dreg:$0x3] =	wrdreg s4  }
0xaa: {  	[dreg:$0x4] =	wrdreg $0xC0  }
0xab: {  	_ =	task [dreg:s6], $0x5FFFF  }
0xac: {  	[dreg:$0x1] =	wrdreg $0xFFFFFFFF  }
0xad: {  	[dreg:$0x0] =	wrdreg $0x60  }
0xae: {  	[dreg:$0x2] =	wrdreg s24  }
0xaf: {  	[dreg:$0x3] =	wrdreg $0x9  }
0xb0: {  	_ =	task.clear_ibuf [dreg:s6], $0x4FFFF;
	_ =	strace $0x90000049  }
0xb1: {  	s29 =	simm.s32 $0x9;
	_ =	strace $0x8000004B  }
0xb2: {  	_ =	swait.ge [sflag:s29], $0x1  }
0xb3: {  	[sflag:s29] =	ssyncadd.s32 $0xFFFFFFFF  }
0xb4: {  	_ =	strace $0x9000004B  }
0xb5: {  	_ =	sfence  }
0xb6: {  	s30 =	sld [smem:$0x0];
	_ =	sdelay $0x2  }
0xb7: {  	s31 =	sshll.u32 s1, $0xD;
	s1 =	sshrl.u32 s1, $0x2  }
0xb8: {  	s3 =	sand.u32 $0x4000, s31;
	s1 =	sadd.s32 s1, s30  }
0xb9: {  	s0 =	sor.u32 s3, s0;
	s1 =	sshll.u32 s1, $0x11  }
0xba: {  	s0 =	sor.u32 s1, s0  }
0xbb: {  	s0 =	sadd.s32 $0x8F2B, s0  }
0xbc: {  	[sflag:s0] =	ssyncadd.remote.s32 $0x1  }
0xbd: {  	_ =	sfence.sel $0xFFFF  }
0xbe: {  	[dreg:$0x0] =	wrdreg $0xFFFFFFFF;
	(pc) =	sbr.abs _section_cstart, $3  }
0xbf: {  	[dreg:$0x1] =	wrdreg $0xFFFFFFFF  }
0xc0: {  	_ =	task.clear_ibuf [dreg:s6], $0x2FFFF;
	_ =	strace $0x9FFFFFFF  }
0xc1: {  	(tm) =	ssettm $0x7FFFFFFF  }
tec
execute0_lowered:
.L_overlay_start_1:
0x0: {  	(tag) =	ssettag $0x1  }
0x1: {  	s4 =	rddreg [dreg:$0x0]  }
0x2: {  	s0 =	rddreg [dreg:$0x1];
	s2 =	simm.s32 $0x0;
	s3 =	srdreg.scid  }
0x3: {  	s1 =	stileid.u32;
	s10 =	simm.s32 $0x0;
	[smem:$0x7FF] =	sst s2  }
0x4: {  	s5 =	sand.u32 $0x1, s3;
	s6 =	sshll.u32 s1, $0xF;
	s3 =	sadd.s32 $0x206600, s4  }
0x5: {  	s8 =	sshll.u32 s1, $0x13;
	_ =	strace $0x8000004A;
	s7 =	sshll.u32 s5, $0xE  }
0x6: {  	s31 =	ssub.s32 $0x2, s5;
	s8 =	sadd.s32 s8, s4;
	s5 =	sshll.u32 s5, $0x12  }
0x7: {  	s6 =	sor.u32 s7, s6;
	s9 =	sshrl.u32 s31, $0x1;
	s5 =	sadd.s32 s5, s8  }
0x8: {  	s8 =	simm.s32 $0x200;
	s6 =	sshrl.u32 s6, $0x3;
	s7 =	ssub.s32 s31, s9  }
0x9: {  	s5 =	sadd.s32 $0x346E00, s5;
	s9 =	simm.s32 $0x1;
	s6 =	sadd.s32 s6, s4  }
0xa: {  	s4 =	smax.u32 s7, $0x1;
	s7 =	simm.s32 $0x2;
	s6 =	sadd.s32 $0x6600, s6  }
.LBB2_1:
0xb: {  	s11 =	sadd.s32 $0x0, s6  }
0xc: {  	[tilespmem:s2], [sflag:$0x2] =	stream.linear.gather [hbm4b:s11+s2], $0x200, $0x38;
	[tilespmem:$0x10200] =	vst v63  }
0xd: {  	_ =	swait.ge [sflag:s7], $0x200  }
0xe: {  	[sflag:s7] =	ssyncset.done $0x0  }
0xf: {  	[sflag:s7] =	ssyncadd.s32 $0xFFFFFE00  }
0x10: {  	[tilespmem:s8], [sflag:$0x1] =	stream.indirect.gather [hbm4b:s3+s8], $0x80, s2, s8, $0xb8;
	[tilespmem:$0x10200] =	vst v63  }
0x11: {  	_ =	swait.ge [sflag:s9], $0x10000  }
0x12: {  	[sflag:s9] =	ssyncset.done $0x0  }
0x13: {  	[sflag:s9] =	ssyncadd.s32 $0xFFFF0000  }
0x14: {  	[hbm4b:s5+s2] =	stream.linear.scatter [tilespmem:s8], [sflag:$0x2], $0x10000, $0x38;
	[tilespmem:$0x10200] =	vst v63  }
0x15: {  	s12 =	simm.s32 $0x40;
	_ =	swait.ge [sflag:s7], $0x10000  }
0x16: {  	s13 =	simm.s32 $0x80;
	s11 =	sadd.s32 $0x2000, s5;
	[sflag:s7] =	ssyncset.done $0x0  }
.LBB2_2:
0x17: {  	s14 =	sadd.s32 s12, s6  }
0x18: {  	[sflag:s7] =	ssyncadd.s32 $0xFFFF0000;
	s12 =	smov.u32 s13;
	s15 =	sadd.s32 $0x40, s13  }
0x19: {  	[tilespmem:s2], [sflag:$0x2] =	stream.linear.gather [hbm4b:s14+s2], $0x200, $0x38;
	[tilespmem:$0x10200] =	vst v63  }
0x1a: {  	p0 =	sne.s32 s13, $0x7C0;
	_ =	swait.ge [sflag:s7], $0x200  }
0x1b: {  	[sflag:s7] =	ssyncset.done $0x0  }
0x1c: {  	[sflag:s7] =	ssyncadd.s32 $0xFFFFFE00  }
0x1d: {  	[tilespmem:s8], [sflag:$0x1] =	stream.indirect.gather [hbm4b:s3+s8], $0x80, s2, s8, $0xb8;
	[tilespmem:$0x10200] =	vst v63  }
0x1e: {  	_ =	swait.ge [sflag:s9], $0x10000  }
.Ltmp0:
0x1f: {  	[sflag:s9] =	ssyncset.done $0x0;
	(pc) =	sbr.rel @p0 .LBB2_2-.Ltmp0, $4  }
0x20: {  	[sflag:s9] =	ssyncadd.s32 $0xFFFF0000  }
0x21: {  	[hbm4b:s11+s2] =	stream.linear.scatter [tilespmem:s8], [sflag:$0x2], $0x10000, $0x38;
	[tilespmem:$0x10200] =	vst v63  }
0x22: {  	_ =	swait.ge [sflag:s7], $0x10000  }
0x23: {  	s13 =	smov.u32 s15;
	s11 =	sadd.s32 $0x2000, s11;
	[sflag:s7] =	ssyncset.done $0x0  }
0x24: {  	s12 =	sadd.s32 s12, s6;
	[sflag:s7] =	ssyncadd.s32 $0xFFFF0000  }
0x25: {  	[tilespmem:s2], [sflag:$0x2] =	stream.linear.gather [hbm4b:s12+s2], $0x200, $0x38;
	[tilespmem:$0x10200] =	vst v63  }
0x26: {  	_ =	swait.ge [sflag:s7], $0x200  }
0x27: {  	[sflag:s7] =	ssyncset.done $0x0  }
0x28: {  	[sflag:s7] =	ssyncadd.s32 $0xFFFFFE00  }
0x29: {  	[tilespmem:s8], [sflag:$0x1] =	stream.indirect.gather [hbm4b:s3+s8], $0x80, s2, s8, $0xb8;
	[tilespmem:$0x10200] =	vst v63  }
0x2a: {  	s10 =	sadd.s32 $0x1, s10;
	_ =	swait.ge [sflag:s9], $0x10000  }
0x2b: {  	p0 =	sne.s32 s10, s4;
	[sflag:s9] =	ssyncset.done $0x0  }
.Ltmp1:
0x2c: {  	[sflag:s9] =	ssyncadd.s32 $0xFFFF0000;
	(pc) =	sbr.rel @p0 .LBB2_1-.Ltmp1, $4  }
0x2d: {  	[hbm4b:s11+s2] =	stream.linear.scatter [tilespmem:s8], [sflag:$0x2], $0x10000, $0x38;
	[tilespmem:$0x10200] =	vst v63  }
0x2e: {  	_ =	swait.ge [sflag:s7], $0x10000  }
0x2f: {  	[sflag:s7] =	ssyncset.done $0x0  }
0x30: {  	[sflag:s7] =	ssyncadd.s32 $0xFFFF0000  }
0x31: {  	_ =	sfence.sel $0x180000  }
0x32: {  	[bflag:$0x0] =	sbarrier.arrive $0xFFFF  }
0x33: {  	p0 =	sne.s32 s1, $0x0;
	_ =	strace $0x9000004A  }
0x34: {  	s0 =	sadd.s32 @!p0 $0x100000, s0;
	[bflag:$0x2] =	sbarrier.arrive $0xFFFF  }
0x35: {  	[sflag:s0] =	ssyncadd.tile.s32 @!p0 $0x1;
	_ =	shalt  }
.Lfunc_end2:
_tile_overlayer_lowered:
.L_overlay_start_2:
0x36: {  	(tag) =	ssettag $0x2  }
0x37: {  	s0 =	rddreg [dreg:$0x0];
	s2 =	stileid.u32  }
0x38: {  	s1 =	rddreg [dreg:$0x1];
	p0 =	sne.s32 s2, $0x0  }
0x39: {  	s3 =	rddreg [dreg:$0x2];
	[bflag:$0x3] =	sbarrier.arrive $0xFFFF;
	s2 =	simm.s32 @!p0 $0x1C02  }
0x3a: {  	[timem:s3], [sflag:s2] =	dma.local @!p0 [hbm:s0], s1  }
0x3b: {  	s0 =	simm.s32 @!p0 $0x2  }
0x3c: {  	_ =	swait.ge @!p0 [sflag:s0], s1  }
0x3d: {  	s1 =	ssub.s32 @!p0 $0x0, s1;
	[sflag:s0] =	ssyncset.done @!p0 $0x0  }
0x3e: {  	[sflag:s0] =	ssyncadd.s32 @!p0 s1  }
0x3f: {  	[bflag:$0x3] =	sbarrier.arrive $0xFFFF  }
0x40: {  	_ =	shalt  }

// kernel: kernel.14.cloned.1.call-start
scs
__scs_entry_jumppad:
0x0: {  	(pc) =	sbr.rel $0x88, $3  }
0x1: {  	(tag) =	ssettag $0x0;
	lr =	simm.s32 $0x1  }
0x2: {  	[smem:$0x3F77] =	sst lr;
	_ =	strace $0xD0000000  }
0x3: {  	_ = 	snop  }
0x4: {  	_ = 	snop  }
0x5: {  	_ = 	snop  }
0x6: {  	_ = 	snop  }
0x7: {  	_ = 	snop  }
__scs_overlays_trampoline_lowered:
0x8: {  	[smem:$0x3F86] =	sst s0  }
0x9: {  	[smem:$0x3F87] =	sst s1  }
0xa: {  	[smem:$0x3F88] =	sst s2  }
0xb: {  	[smem:$0x3F89] =	sst s3  }
0xc: {  	[smem:$0x3F8A] =	sst s4  }
0xd: {  	[smem:$0x3F8B] =	sst s5  }
0xe: {  	[smem:$0x3F8C] =	sst s6  }
0xf: {  	[smem:$0x3F8D] =	sst s7  }
0x10: {  	[smem:$0x3F8E] =	sst s8  }
0x11: {  	[smem:$0x3F8F] =	sst s9;
	s0 =	simm.s32 @!p0 $0x0  }
0x12: {  	s1 =	sld [smem:$0x3F75];
	s0 =	simm.s32 @p0 $0x1  }
0x13: {  	[smem:$0x3F90] =	sst s0;
	s0 =	simm.s32 @!p1 $0x0  }
0x14: {  	s2 =	sld [smem:$0x3F74];
	s0 =	simm.s32 @p1 $0x1  }
0x15: {  	[smem:$0x3F91] =	sst s0;
	s0 =	simm.s32 @!p2 $0x0  }
0x16: {  	s3 =	sld [smem:$0x3FDB];
	s0 =	simm.s32 @p2 $0x1  }
0x17: {  	s4 =	simm.s32 $0x1BF5;
	[smem:$0x3F93] =	sst s0  }
0x18: {  	s0 =	sld [smem:$0x3F76];
	_ =	swait.ge [sflag:s4], $0x0  }
0x19: {  	s7 =	sld [smem:$0x3F77]  }
0x1a: {  	s8 =	sadd.s32 $0xFFFFE003, lr  }
0x1b: {  	s9 =	sadd.s32 $0xFFFFFEF7, lr;
	s5 =	simm.s32 $0xFFFFFFFF;
	p2 =	slt.u32 s8, $0xFFFFF086  }
0x1c: {  	p1 =	slt.u32 s9, $0xF7A;
	s5 =	simm.s32 @!p2 $0x0  }
0x1d: {  	s5 =	simm.s32 @p1 $0x1;
	p0 =	seq.s32 s7, s2  }
0x1e: {  	s7 =	smul.u32 @!p0 $0xF7A, s2;
	p2 =	seq.s32 @!p0 s5, $0x0  }
0x1f: {  	s9 =	smul.u32 $0xF7A, s1;
	s8 =	simm.s32 @!p0 $0x1BF5;
	p2 =	por !p2, p0  }
0x20: {  	[sflag:s8] =	ssyncset.s32 @!p0 $0xFFFFF086;
	s6 =	sadd.s32 @!p0 s3, s7;
	s7 =	simm.s32 @!p0 $0x108  }
0x21: {  	s3 =	sadd.s32 s3, s9;
	s6 =	sadd.s32 @!p0 $0x88, s6;
	s7 =	simm.s32 @p2 $0x1082  }
0x22: {  	[simem:s7], [sflag:s8] =	dma.local @!p0 [hbm:s6], $0xF7A  }
0x23: {  	s9 =	sor.u32 $0xD0000000, s2;
	s6 =	simm.s32 $0x108;
	_ =	swait.ge @!p0 [sflag:s8], $0x0  }
0x24: {  	s3 =	sadd.s32 $0x88, s3;
	s6 =	simm.s32 @!p1 $0x1082;
	[sflag:s4] =	ssyncset.s32 $0xFFFFF086  }
0x25: {  	[simem:s6], [sflag:s4] =	dma.local [hbm:s3], $0xF7A  }
0x26: {  	[smem:$0x3F77] =	sst s1;
	(tag) =	ssettag s2;
	_ =	strace s9  }
0x27: {  	s1 =	sld [smem:$0x3F87]  }
0x28: {  	s2 =	sld [smem:$0x3F88]  }
0x29: {  	s4 =	sld [smem:$0x3F8A]  }
0x2a: {  	p0 =	seq.s32 s5, $0x0;
	s5 =	sld [smem:$0x3F8B]  }
0x2b: {  	s6 =	sld [smem:$0x3F8C]  }
0x2c: {  	s7 =	sld [smem:$0x3F8D]  }
0x2d: {  	s3 =	simm.s32 $0x108;
	s8 =	sld [smem:$0x3F8E]  }
0x2e: {  	s3 =	simm.s32 @!p0 $0x1082;
	s9 =	sld [smem:$0x3F8F]  }
0x2f: {  	lr =	sadd.s32 s0, s3;
	s0 =	sld [smem:$0x3F86]  }
0x30: {  	s3 =	sld [smem:$0x3F89]  }
0x31: {  	[smem:$0x3F92] =	sst s10  }
0x32: {  	s10 =	sld [smem:$0x3F90];
	_ =	sdelay $0x3  }
0x33: {  	p0 =	seq.s32 s10, $0x1;
	s10 =	sld [smem:$0x3F92];
	_ =	sdelay $0x3  }
0x34: {  	[smem:$0x3F92] =	sst s10  }
0x35: {  	s10 =	sld [smem:$0x3F91];
	_ =	sdelay $0x3  }
0x36: {  	p1 =	seq.s32 s10, $0x1;
	s10 =	sld [smem:$0x3F92];
	_ =	sdelay $0x3  }
0x37: {  	[smem:$0x3F92] =	sst s10  }
0x38: {  	s10 =	sld [smem:$0x3F93]  }
0x39: {  	_ = 	snop;
	(pc) =	sbr.ind lr, $3  }
0x3a: {  	_ = 	snop  }
0x3b: {  	_ = 	snop  }
0x3c: {  	p2 =	seq.s32 s10, $0x1;
	s10 =	sld [smem:$0x3F92]  }
0x3d: {  	_ =	shalt  }
0x3e: {  	_ =	shalt  }
0x3f: {  	_ =	shalt  }
0x40: {  	_ =	shalt  }
0x41: {  	_ =	shalt  }
0x42: {  	_ =	shalt  }
0x43: {  	_ =	shalt  }
0x44: {  	_ =	shalt  }
0x45: {  	_ =	shalt  }
0x46: {  	_ =	shalt  }
0x47: {  	_ =	shalt  }
0x48: {  	_ =	shalt  }
0x49: {  	_ =	shalt  }
0x4a: {  	_ =	shalt  }
0x4b: {  	_ =	shalt  }
0x4c: {  	_ =	shalt  }
0x4d: {  	_ =	shalt  }
0x4e: {  	_ =	shalt  }
0x4f: {  	_ =	shalt  }
0x50: {  	_ =	shalt  }
0x51: {  	_ =	shalt  }
0x52: {  	_ =	shalt  }
0x53: {  	_ =	shalt  }
0x54: {  	_ =	shalt  }
0x55: {  	_ =	shalt  }
0x56: {  	_ =	shalt  }
0x57: {  	_ =	shalt  }
0x58: {  	_ =	shalt  }
0x59: {  	_ =	shalt  }
0x5a: {  	_ =	shalt  }
0x5b: {  	_ =	shalt  }
0x5c: {  	_ =	shalt  }
0x5d: {  	_ =	shalt  }
0x5e: {  	_ =	shalt  }
0x5f: {  	_ =	shalt  }
0x60: {  	_ =	shalt  }
0x61: {  	_ =	shalt  }
0x62: {  	_ =	shalt  }
0x63: {  	_ =	shalt  }
0x64: {  	_ =	shalt  }
0x65: {  	_ =	shalt  }
0x66: {  	_ =	shalt  }
0x67: {  	_ =	shalt  }
0x68: {  	_ =	shalt  }
0x69: {  	_ =	shalt  }
0x6a: {  	_ =	shalt  }
0x6b: {  	_ =	shalt  }
0x6c: {  	_ =	shalt  }
0x6d: {  	_ =	shalt  }
0x6e: {  	_ =	shalt  }
0x6f: {  	_ =	shalt  }
0x70: {  	_ =	shalt  }
0x71: {  	_ =	shalt  }
0x72: {  	_ =	shalt  }
0x73: {  	_ =	shalt  }
0x74: {  	_ =	shalt  }
0x75: {  	_ =	shalt  }
0x76: {  	_ =	shalt  }
0x77: {  	_ =	shalt  }
0x78: {  	_ =	shalt  }
0x79: {  	_ =	shalt  }
0x7a: {  	_ =	shalt  }
0x7b: {  	_ =	shalt  }
0x7c: {  	_ =	shalt  }
0x7d: {  	_ =	shalt  }
0x7e: {  	_ =	shalt  }
0x7f: {  	_ =	shalt  }
0x80: {  	_ =	shalt  }
0x81: {  	_ =	shalt  }
0x82: {  	_ =	shalt  }
0x83: {  	_ =	shalt  }
0x84: {  	_ =	shalt  }
0x85: {  	_ =	shalt  }
0x86: {  	_ =	shalt  }
0x87: {  	_ =	shalt  }
.Lfunc_end0:
.L_simem_size_0:
called_computation.2_lowered:
.L_overlay_start_0:
0x88: {  	s2 =	sld [smem:$0x3FD9]  }
0x89: {  	s3 =	sld [smem:$0x3FFE];
	_ =	sdelay $0x1  }
0x8a: {  	s1 =	srdreg.scid  }
0x8b: {  	s0 =	sand.u32 $0x1, s1  }
0x8c: {  	s16 =	sshll.u32 s0, $0xA;
	s2 =	sadd.s32 s3, s2  }
0x8d: {  	s2 =	sadd.s32 s2, s16  }
0x8e: {  	[smem:$0x3F9E] =	sst s2  }
0x8f: {  	_ = 	snop  }
0x90: {  	(tm) =	ssettm $0x1  }
0x91: {  	s17 =	sld [smem:$0x3FFB];
	_ =	sdelay $0x3  }
0x92: {  	_ =	strace s17  }
0x93: {  	s2 =	sld [smem:$0x3FFC];
	_ =	sdelay $0x3  }
0x94: {  	_ =	strace s2  }
0x95: {  	s2 =	sld [smem:$0x3FFD];
	_ =	sdelay $0x3  }
0x96: {  	_ =	strace s2  }
0x97: {  	_ =	strace $0x8FFFFFFF  }
0x98: {  	s18 =	sld [smem:$0x3FDB];
	_ =	sdelay $0x1  }
0x99: {  	s19 =	simm.s32 $_scs_section_size  }
0x9a: {  	s4 =	simm.s32 $_size__tile_overlayer_lowered;
	s5 =	simm.s32 $_tile_overlayer_lowered  }
0x9b: {  	s22 =	simm.s32 $0x1BFF;
	s21 =	sshll.u32 s5, $0x1;
	s2 =	sadd.s32 s19, s18  }
0x9c: {  	s6 =	simm.s32 $0x0;
	s20 =	sshll.u32 s4, $0x1;
	s4 =	sadd.s32 s21, s2  }
0x9d: {  	[timem:s6], [sflag:s22] =	dma.local [hbm:s4], s20  }
0x9e: {  	_ =	swait.ge [sflag:s22], s20  }
0x9f: {  	s3 =	ssub.s32 $0x0, s20;
	[sflag:s22] =	ssyncset.done $0x0  }
0xa0: {  	[sflag:s22] =	ssyncadd.s32 s3;
	_ =	sdelay $0x1  }
0xa1: {  	s23 =	simm.s32 $0x1B8B  }
0xa2: {  	_ =	swait.ge [sflag:s23], $0x1  }
0xa3: {  	[sflag:s23] =	ssyncset.done $0x0  }
0xa4: {  	s25 =	simm.s32 $0x1B8E;
	s24 =	sld [smem:$0x3FFE];
	[sflag:s23] =	ssyncadd.s32 $0xFFFFFFFF  }
0xa5: {  	s26 =	simm.s32 $execute0_lowered;
	[smem:$0x3FD2] =	sst s25  }
0xa6: {  	s4 =	sshll.u32 s26, $0x1;
	_ =	strace $0x8000004C;
	[dreg:$0x1] =	wrdreg $0xFFFFFFFF  }
0xa7: {  	s28 =	simm.s32 $_size_execute0_lowered;
	s2 =	sadd.s32 s2, s4;
	[dreg:$0x0] =	wrdreg $0x0  }
0xa8: {  	s4 =	sshll.u32 s28, $0x1;
	[dreg:$0x2] =	wrdreg s2  }
0xa9: {  	[dreg:$0x3] =	wrdreg s4  }
0xaa: {  	[dreg:$0x4] =	wrdreg $0xC0  }
0xab: {  	_ =	task [dreg:s6], $0x5FFFF  }
0xac: {  	[dreg:$0x1] =	wrdreg $0xFFFFFFFF  }
0xad: {  	[dreg:$0x0] =	wrdreg $0x60  }
0xae: {  	[dreg:$0x2] =	wrdreg s24  }
0xaf: {  	[dreg:$0x3] =	wrdreg $0x9  }
0xb0: {  	_ =	task.clear_ibuf [dreg:s6], $0x4FFFF;
	_ =	strace $0x9000004C  }
0xb1: {  	s29 =	simm.s32 $0x9;
	_ =	strace $0x8000004E  }
0xb2: {  	_ =	swait.ge [sflag:s29], $0x1  }
0xb3: {  	[sflag:s29] =	ssyncadd.s32 $0xFFFFFFFF  }
0xb4: {  	_ =	strace $0x9000004E  }
0xb5: {  	_ =	sfence  }
0xb6: {  	s30 =	sld [smem:$0x0];
	_ =	sdelay $0x2  }
0xb7: {  	s31 =	sshll.u32 s1, $0xD;
	s1 =	sshrl.u32 s1, $0x2  }
0xb8: {  	s3 =	sand.u32 $0x4000, s31;
	s1 =	sadd.s32 s1, s30  }
0xb9: {  	s0 =	sor.u32 s3, s0;
	s1 =	sshll.u32 s1, $0x11  }
0xba: {  	s0 =	sor.u32 s1, s0  }
0xbb: {  	s0 =	sadd.s32 $0x8F2B, s0  }
0xbc: {  	[sflag:s0] =	ssyncadd.remote.s32 $0x1  }
0xbd: {  	_ =	sfence.sel $0xFFFF  }
0xbe: {  	[dreg:$0x0] =	wrdreg $0xFFFFFFFF;
	(pc) =	sbr.abs _section_cstart, $3  }
0xbf: {  	[dreg:$0x1] =	wrdreg $0xFFFFFFFF  }
0xc0: {  	_ =	task.clear_ibuf [dreg:s6], $0x2FFFF;
	_ =	strace $0x9FFFFFFF  }
0xc1: {  	(tm) =	ssettm $0x7FFFFFFF  }
tec
execute0_lowered:
.L_overlay_start_1:
0x0: {  	(tag) =	ssettag $0x1  }
0x1: {  	s4 =	rddreg [dreg:$0x0]  }
0x2: {  	s0 =	rddreg [dreg:$0x1];
	s2 =	simm.s32 $0x0;
	s3 =	srdreg.scid  }
0x3: {  	s1 =	stileid.u32;
	s10 =	simm.s32 $0x0;
	[smem:$0x7FF] =	sst s2  }
0x4: {  	s5 =	sand.u32 $0x1, s3;
	s6 =	sshll.u32 s1, $0xD;
	s3 =	sadd.s32 $0x3AC00, s4  }
0x5: {  	s8 =	sshll.u32 s1, $0x11;
	_ =	strace $0x8000004D;
	s7 =	sshll.u32 s5, $0xC  }
0x6: {  	s31 =	ssub.s32 $0x2, s5;
	s8 =	sadd.s32 s8, s4;
	s5 =	sshll.u32 s5, $0x10  }
0x7: {  	s6 =	sor.u32 s7, s6;
	s9 =	sshrl.u32 s31, $0x1;
	s5 =	sadd.s32 s5, s8  }
0x8: {  	s8 =	simm.s32 $0x200;
	s6 =	sshrl.u32 s6, $0x3;
	s7 =	ssub.s32 s31, s9  }
0x9: {  	s5 =	sadd.s32 $0x5AC00, s5;
	s9 =	simm.s32 $0x1;
	s6 =	sadd.s32 s6, s4  }
0xa: {  	s4 =	smax.u32 s7, $0x1;
	s7 =	simm.s32 $0x2;
	s6 =	sadd.s32 $0x36C00, s6  }
.LBB2_1:
0xb: {  	s11 =	sadd.s32 $0x0, s6  }
0xc: {  	[tilespmem:s2], [sflag:$0x2] =	stream.linear.gather [hbm4b:s11+s2], $0x200, $0x38;
	[tilespmem:$0x10200] =	vst v63  }
0xd: {  	_ =	swait.ge [sflag:s7], $0x200  }
0xe: {  	[sflag:s7] =	ssyncset.done $0x0  }
0xf: {  	[sflag:s7] =	ssyncadd.s32 $0xFFFFFE00  }
0x10: {  	[tilespmem:s8], [sflag:$0x1] =	stream.indirect.gather [hbm4b:s3+s8], $0x80, s2, s8, $0xb8;
	[tilespmem:$0x10200] =	vst v63  }
0x11: {  	_ =	swait.ge [sflag:s9], $0x10000  }
0x12: {  	[sflag:s9] =	ssyncset.done $0x0  }
0x13: {  	[sflag:s9] =	ssyncadd.s32 $0xFFFF0000  }
0x14: {  	[hbm4b:s5+s2] =	stream.linear.scatter [tilespmem:s8], [sflag:$0x2], $0x10000, $0x38;
	[tilespmem:$0x10200] =	vst v63  }
0x15: {  	s12 =	simm.s32 $0x40;
	_ =	swait.ge [sflag:s7], $0x10000  }
0x16: {  	s13 =	simm.s32 $0x80;
	s11 =	sadd.s32 $0x2000, s5;
	[sflag:s7] =	ssyncset.done $0x0  }
.LBB2_2:
0x17: {  	s14 =	sadd.s32 s12, s6  }
0x18: {  	[sflag:s7] =	ssyncadd.s32 $0xFFFF0000;
	s12 =	smov.u32 s13;
	s15 =	sadd.s32 $0x40, s13  }
0x19: {  	[tilespmem:s2], [sflag:$0x2] =	stream.linear.gather [hbm4b:s14+s2], $0x200, $0x38;
	[tilespmem:$0x10200] =	vst v63  }
0x1a: {  	p0 =	sne.s32 s13, $0x1C0;
	_ =	swait.ge [sflag:s7], $0x200  }
0x1b: {  	[sflag:s7] =	ssyncset.done $0x0  }
0x1c: {  	[sflag:s7] =	ssyncadd.s32 $0xFFFFFE00  }
0x1d: {  	[tilespmem:s8], [sflag:$0x1] =	stream.indirect.gather [hbm4b:s3+s8], $0x80, s2, s8, $0xb8;
	[tilespmem:$0x10200] =	vst v63  }
0x1e: {  	_ =	swait.ge [sflag:s9], $0x10000  }
.Ltmp0:
0x1f: {  	[sflag:s9] =	ssyncset.done $0x0;
	(pc) =	sbr.rel @p0 .LBB2_2-.Ltmp0, $4  }
0x20: {  	[sflag:s9] =	ssyncadd.s32 $0xFFFF0000  }
0x21: {  	[hbm4b:s11+s2] =	stream.linear.scatter [tilespmem:s8], [sflag:$0x2], $0x10000, $0x38;
	[tilespmem:$0x10200] =	vst v63  }
0x22: {  	_ =	swait.ge [sflag:s7], $0x10000  }
0x23: {  	s13 =	smov.u32 s15;
	s11 =	sadd.s32 $0x2000, s11;
	[sflag:s7] =	ssyncset.done $0x0  }
0x24: {  	s12 =	sadd.s32 s12, s6;
	[sflag:s7] =	ssyncadd.s32 $0xFFFF0000  }
0x25: {  	[tilespmem:s2], [sflag:$0x2] =	stream.linear.gather [hbm4b:s12+s2], $0x200, $0x38;
	[tilespmem:$0x10200] =	vst v63  }
0x26: {  	_ =	swait.ge [sflag:s7], $0x200  }
0x27: {  	[sflag:s7] =	ssyncset.done $0x0  }
0x28: {  	[sflag:s7] =	ssyncadd.s32 $0xFFFFFE00  }
0x29: {  	[tilespmem:s8], [sflag:$0x1] =	stream.indirect.gather [hbm4b:s3+s8], $0x80, s2, s8, $0xb8;
	[tilespmem:$0x10200] =	vst v63  }
0x2a: {  	s10 =	sadd.s32 $0x1, s10;
	_ =	swait.ge [sflag:s9], $0x10000  }
0x2b: {  	p0 =	sne.s32 s10, s4;
	[sflag:s9] =	ssyncset.done $0x0  }
.Ltmp1:
0x2c: {  	[sflag:s9] =	ssyncadd.s32 $0xFFFF0000;
	(pc) =	sbr.rel @p0 .LBB2_1-.Ltmp1, $4  }
0x2d: {  	[hbm4b:s11+s2] =	stream.linear.scatter [tilespmem:s8], [sflag:$0x2], $0x10000, $0x38;
	[tilespmem:$0x10200] =	vst v63  }
0x2e: {  	_ =	swait.ge [sflag:s7], $0x10000  }
0x2f: {  	[sflag:s7] =	ssyncset.done $0x0  }
0x30: {  	[sflag:s7] =	ssyncadd.s32 $0xFFFF0000  }
0x31: {  	_ =	sfence.sel $0x180000  }
0x32: {  	[bflag:$0x0] =	sbarrier.arrive $0xFFFF  }
0x33: {  	p0 =	sne.s32 s1, $0x0;
	_ =	strace $0x9000004D  }
0x34: {  	s0 =	sadd.s32 @!p0 $0x100000, s0;
	[bflag:$0x2] =	sbarrier.arrive $0xFFFF  }
0x35: {  	[sflag:s0] =	ssyncadd.tile.s32 @!p0 $0x1;
	_ =	shalt  }
.Lfunc_end2:
_tile_overlayer_lowered:
.L_overlay_start_2:
0x36: {  	(tag) =	ssettag $0x2  }
0x37: {  	s0 =	rddreg [dreg:$0x0];
	s2 =	stileid.u32  }
0x38: {  	s1 =	rddreg [dreg:$0x1];
	p0 =	sne.s32 s2, $0x0  }
0x39: {  	s3 =	rddreg [dreg:$0x2];
	[bflag:$0x3] =	sbarrier.arrive $0xFFFF;
	s2 =	simm.s32 @!p0 $0x1C02  }
0x3a: {  	[timem:s3], [sflag:s2] =	dma.local @!p0 [hbm:s0], s1  }
0x3b: {  	s0 =	simm.s32 @!p0 $0x2  }
0x3c: {  	_ =	swait.ge @!p0 [sflag:s0], s1  }
0x3d: {  	s1 =	ssub.s32 @!p0 $0x0, s1;
	[sflag:s0] =	ssyncset.done @!p0 $0x0  }
0x3e: {  	[sflag:s0] =	ssyncadd.s32 @!p0 s1  }
0x3f: {  	[bflag:$0x3] =	sbarrier.arrive $0xFFFF  }
0x40: {  	_ =	shalt  }

// kernel: sparse-core-data-format-call.cloned.1.call-start
scs
called_computation_lowered:
.L_overlay_start_0:
0x0: {  	s1 =	sld [smem:$0x3FD9]  }
0x1: {  	s2 =	sld [smem:$0x3FFE];
	_ =	sdelay $0x1  }
0x2: {  	s3 =	srdreg.scid  }
0x3: {  	s0 =	sand.u32 $0x1, s3  }
0x4: {  	s17 =	sshll.u32 s0, $0xA;
	s1 =	sadd.s32 s2, s1  }
0x5: {  	s1 =	sadd.s32 s1, s17  }
0x6: {  	[smem:$0x3F9E] =	sst s1  }
0x7: {  	_ = 	snop  }
0x8: {  	(tm) =	ssettm $0x1  }
0x9: {  	s18 =	sld [smem:$0x3FFB];
	_ =	sdelay $0x3  }
0xa: {  	_ =	strace s18  }
0xb: {  	s1 =	sld [smem:$0x3FFC];
	_ =	sdelay $0x3  }
0xc: {  	_ =	strace s1  }
0xd: {  	s1 =	sld [smem:$0x3FFD];
	_ =	sdelay $0x3  }
0xe: {  	_ =	strace s1  }
0xf: {  	_ =	strace $0x8FFFFFFF  }
0x10: {  	s19 =	sld [smem:$0x3FDB];
	_ =	sdelay $0x1  }
0x11: {  	s20 =	simm.s32 $_scs_section_size  }
0x12: {  	s4 =	simm.s32 $_size__tile_overlayer_lowered;
	s5 =	simm.s32 $_tile_overlayer_lowered  }
0x13: {  	s23 =	simm.s32 $0x1BFF;
	s22 =	sshll.u32 s5, $0x1;
	s1 =	sadd.s32 s20, s19  }
0x14: {  	s6 =	simm.s32 $0x0;
	s21 =	sshll.u32 s4, $0x1;
	s4 =	sadd.s32 s22, s1  }
0x15: {  	[timem:s6], [sflag:s23] =	dma.local [hbm:s4], s21  }
0x16: {  	_ =	swait.ge [sflag:s23], s21  }
0x17: {  	s2 =	ssub.s32 $0x0, s21;
	[sflag:s23] =	ssyncset.done $0x0  }
0x18: {  	[sflag:s23] =	ssyncadd.s32 s2;
	_ =	sdelay $0x1  }
0x19: {  	s24 =	simm.s32 $0x1B8B  }
0x1a: {  	_ =	swait.ge [sflag:s24], $0x1  }
0x1b: {  	[sflag:s24] =	ssyncset.done $0x0  }
0x1c: {  	s26 =	simm.s32 $0x1B8E;
	s25 =	sld [smem:$0x3FFE];
	[sflag:s24] =	ssyncadd.s32 $0xFFFFFFFF  }
0x1d: {  	s27 =	simm.s32 $execute0_lowered;
	[smem:$0x3FD2] =	sst s26  }
0x1e: {  	s4 =	sshll.u32 s27, $0x1;
	_ =	strace $0x80000046;
	[dreg:$0x1] =	wrdreg $0xFFFFFFFF  }
0x1f: {  	s28 =	simm.s32 $_size_execute0_lowered;
	s1 =	sadd.s32 s1, s4;
	[dreg:$0x0] =	wrdreg $0x0  }
0x20: {  	s4 =	sshll.u32 s28, $0x1;
	[dreg:$0x2] =	wrdreg s1  }
0x21: {  	[dreg:$0x3] =	wrdreg s4  }
0x22: {  	[dreg:$0x4] =	wrdreg $0xC0  }
0x23: {  	_ =	task [dreg:s6], $0x5FFFF  }
0x24: {  	[dreg:$0x1] =	wrdreg $0xFFFFFFFF  }
0x25: {  	[dreg:$0x0] =	wrdreg $0x60  }
0x26: {  	[dreg:$0x2] =	wrdreg s25  }
0x27: {  	[dreg:$0x3] =	wrdreg $0x9  }
0x28: {  	_ =	task.clear_ibuf [dreg:s6], $0x4FFFF;
	_ =	strace $0x90000046  }
0x29: {  	s29 =	simm.s32 $0x9;
	_ =	strace $0x80000048  }
0x2a: {  	_ =	swait.ge [sflag:s29], $0x1  }
0x2b: {  	[sflag:s29] =	ssyncadd.s32 $0xFFFFFFFF  }
0x2c: {  	_ =	strace $0x90000048  }
0x2d: {  	_ =	sfence  }
0x2e: {  	s30 =	sld [smem:$0x0];
	_ =	sdelay $0x2  }
0x2f: {  	s31 =	sshll.u32 s3, $0xD;
	s3 =	sshrl.u32 s3, $0x2  }
0x30: {  	s2 =	sand.u32 $0x4000, s31;
	s1 =	sadd.s32 s3, s30  }
0x31: {  	s0 =	sor.u32 s2, s0;
	s1 =	sshll.u32 s1, $0x11  }
0x32: {  	s0 =	sor.u32 s1, s0  }
0x33: {  	s0 =	sadd.s32 $0x8F2B, s0  }
0x34: {  	[sflag:s0] =	ssyncadd.remote.s32 $0x1  }
0x35: {  	_ =	sfence.sel $0xFFFF  }
0x36: {  	[dreg:$0x0] =	wrdreg $0xFFFFFFFF;
	(pc) =	sbr.abs _section_cstart, $3  }
0x37: {  	[dreg:$0x1] =	wrdreg $0xFFFFFFFF  }
0x38: {  	_ =	task.clear_ibuf [dreg:s6], $0x2FFFF;
	_ =	strace $0x9FFFFFFF  }
0x39: {  	(tm) =	ssettm $0x7FFFFFFF  }
tec
execute0_lowered:
.L_overlay_start_1:
0x0: {  	(tag) =	ssettag $0x1  }
0x1: {  	s0 =	srdreg.scid;
	s3 =	rddreg [dreg:$0x0];
	s5 =	simm.s32 $0x1  }
0x2: {  	s7 =	simm.s32 $0x2;
	s15 =	simm.s32 $0x0;
	p0 =	por $0x0, $0x0  }
0x3: {  	s8 =	simm.s32 $0x1000;
	s13 =	simm.s32 $0x0;
	s1 =	sshll.u32 s0, $0x7  }
0x4: {  	s14 =	simm.s32 $0x0;
	s9 =	simm.s32 $0x0;
	s1 =	sand.u32 $0x80, s1  }
0x5: {  	s0 =	rddreg [dreg:$0x1];
	_ =	strace $0x80000047;
	s6 =	ssub.s32 $0x200, s1  }
.Ltmp0:
0x6: {  	s2 =	sadd.s32 $0x6600, s3;
	s31 =	sshrl.u32 s6, $0x7;
	(pc) =	sbr.rel .LBB1_1-.Ltmp0, $4  }
0x7: {  	s4 =	sadd.s32 $0x106600, s3;
	s6 =	sshrl.u32 s6, $0x8;
	s3 =	sand.u32 $0x1, s31  }
0x8: {  	s11 =	stileid.u32;
	[sflag:s5] =	ssyncpa.u1 $0x0;
	s6 =	sadd.s32 s6, s3  }
0x9: {  	s12 =	simm.s32 $0x0;
	[sflag:s7] =	ssyncpa.u1 $0x0;
	s6 =	sshll.u32 s6, $0x3  }
0xa: {  	s10 =	smov.u32 s1;
	s3 =	stileid.u32;
	s7 =	sor.u32 $0x1, s6  }
.LBB1_4:
0xb: {  	v5 =	vld [tilespmem:s18+$0xFFFFFFD0];
	[tilespmem:s19+$0x2040 ss:$0x81] =	vst.msk $0xffff, v1  }
0xc: {  	v58 =	vld [tilespmem:s18+$0xFFFFFFE0];
	[tilespmem:s19+$0x2850 ss:$0x81] =	vst.msk $0xffff, v2  }
0xd: {  	s20 =	sshra.s32 s20, $0x2;
	v59 =	vld [tilespmem:s18+$0xFFFFFFF0];
	[tilespmem:s19+$0x3060 ss:$0x81] =	vst.msk $0xffff, v3  }
0xe: {  	v60 =	vld [tilespmem:s18+$0x0];
	[tilespmem:s19+$0x0 ss:$0x81] =	vst.msk $0xffff, v0;
	s17 =	sadd.s32 s20, s17  }
0xf: {  	v61 =	vld [tilespmem:s18+$0x10];
	s25 =	sshll.u32 s15, $0x9;
	[tilespmem:s17+$0x3870 ss:$0x81] =	vst.msk $0xffff, v4  }
0x10: {  	s26 =	sshll.u32 s13, $0x3;
	v62 =	vld [tilespmem:s18+$0x20];
	s27 =	sshll.u32 s15, $0x7;
	s30 =	sand.u32 $0x78, s13;
	[tilespmem:s17+$0x810 ss:$0x81] =	vst.msk $0xffff, v5  }
0x11: {  	v63 =	vld [tilespmem:s18+$0xFFFFFFC0];
	s14 =	sshll.u32 s14, $0x10;
	s19 =	sand.u32 $0x7F000, s25;
	s20 =	sand.u32 $0x7FC00, s26;
	[tilespmem:s17+$0x1020 ss:$0x81] =	vst.msk $0xffff, v58  }
0x12: {  	s29 =	sand.u32 $0x200, s27;
	s15 =	sand.u32 $0x180, s27;
	s28 =	sadd.s32 s20, s19;
	[tilespmem:s17+$0x1830 ss:$0x81] =	vst.msk $0xffff, v59  }
0x13: {  	s31 =	sand.u32 $0x7, s13;
	s15 =	sor.u32 s30, s15;
	s18 =	sor.u32 s29, s28;
	[tilespmem:s17+$0x2040 ss:$0x81] =	vst.msk $0xffff, v60  }
0x14: {  	s14 =	sadd.s32 s4, s14;
	s15 =	sshrl.u32 s15, $0x3;
	s18 =	sshrl.u32 s18, $0x3;
	[tilespmem:s17+$0x2850 ss:$0x81] =	vst.msk $0xffff, v61  }
0x15: {  	s13 =	sshll.u32 s31, $0x12;
	s14 =	sadd.s32 s15, s14;
	[tilespmem:s17+$0x3060 ss:$0x81] =	vst.msk $0xffff, v62;
	s18 =	sand.u32 $0xFFC0, s18  }
0x16: {  	s13 =	sor.u32 $0x400, s13;
	[tilespmem:s17+$0x0 ss:$0x81] =	vst.msk $0xffff, v63;
	s14 =	sadd.s32 s18, s14  }
0x17: {  	[hbm4b:s14+s13] =	stream.strided.scatter [tilespmem:s16], [sflag:$0x2], $0x4000, s8, s13, $0x20;
	[tilespmem:$0x10100] =	vst v63  }
.LBB1_5:
0x18: {  	s16 =	sadd.s32 $0x80, s9  }
0x19: {  	s13 =	sadd.s32 $0x100, s10;
	s17 =	smov.u32 s10;
	p2 =	sgt.s32 s16, $0x3FF  }
0x1a: {  	s17 =	smov.u32 @p2 s13  }
0x1b: {  	s19 =	smov.u32 s11;
	s13 =	sadd.s32 $0x10, s11;
	p3 =	sgt.s32 s17, $0x1FF  }
0x1c: {  	s19 =	smov.u32 @p3 s13  }
0x1d: {  	s16 =	simm.s32 @p2 $0x0;
	p2 =	sgt.s32 s19, $0xF  }
0x1e: {  	p1 =	slt.u32 s12, $0x2;
	s19 =	smov.u32 @p2 s3;
	p2 =	sne.s32 s12, s7  }
.Ltmp1:
0x1f: {  	s18 =	simm.s32 @!p1 $0x2;
	(pc) =	sbr.rel @!p2 .LBB1_6-.Ltmp1, $4  }
0x20: {  	s15 =	smov.u32 s9;
	s14 =	smov.u32 s11;
	_ =	swait.ge @!p1 [sflag:s18], $0x4000  }
0x21: {  	p0 =	por !p0, !p0;
	[sflag:s18] =	ssyncset.done @!p1 $0x0;
	s9 =	smov.u32 s16  }
0x22: {  	s17 =	smov.u32 @p3 s1;
	s13 =	smov.u32 s10;
	[sflag:s18] =	ssyncadd.s32 @!p1 $0xFFFFC000  }
0x23: {  	s10 =	smov.u32 s17;
	s12 =	sadd.s32 $0x1, s12;
	s11 =	smov.u32 s19  }
.LBB1_1:
0x24: {  	p1 =	sge.u32 s12, s6  }
0x25: {  	s31 =	sadd.s32 $0xFFFFFFFF, s12;
	s16 =	sshll.u32 @!p1 s10, $0x7  }
0x26: {  	s17 =	sxor.u32 @!p1 $0xFFFFFFFF, s12;
	s18 =	sand.u32 @!p1 $0x78, s9;
	s19 =	sand.u32 @!p1 $0x380, s16  }
0x27: {  	s17 =	sshll.u32 @!p1 s17, $0xE;
	s18 =	sor.u32 @!p1 s18, s19;
	s19 =	sshll.u32 @!p1 s11, $0x10  }
0x28: {  	s16 =	sand.u32 @!p1 $0xFC00, s16;
	s18 =	sshrl.u32 @!p1 s18, $0x3;
	s19 =	sadd.s32 @!p1 s2, s19  }
0x29: {  	s16 =	sadd.s32 @!p1 s9, s16;
	s18 =	sadd.s32 @!p1 s18, s19;
	s19 =	sand.u32 @!p1 $0x7, s9  }
0x2a: {  	s17 =	sand.u32 @!p1 $0x4000, s17;
	s16 =	sand.u32 @!p1 $0xFF80, s16;
	s19 =	sshll.u32 @!p1 s19, $0x12  }
0x2b: {  	s16 =	sadd.s32 @!p1 s16, s18;
	s18 =	sor.u32 @!p1 $0x400, s19;
	s19 =	simm.s32 @!p1 $0x2000  }
0x2c: {  	[tilespmem:s17], [sflag:$0x1] =	stream.strided.gather @!p1 [hbm4b:s16+s18], $0x4000, s19, s18, $0x38;
	[tilespmem:$0x10100] =	vst v63  }
0x2d: {  	p1 =	sge.u32 s31, s6  }
.Ltmp2:
0x2e: {  	_ = 	snop;
	(pc) =	sbr.rel @p1 .LBB1_5-.Ltmp2, $1  }
0x2f: {  	_ =	sdelay $0x3  }
0x30: {  	s16 =	simm.s32 $0x1  }
0x31: {  	_ =	swait.ge [sflag:s5], $0x4000;
	s16 =	simm.s32 @!p0 $0x0  }
0x32: {  	[sflag:s5] =	ssyncset.done $0x0;
	s17 =	sshll.u32 s16, $0xE  }
0x33: {  	[sflag:s5] =	ssyncadd.s32 $0xFFFFC000;
	s18 =	sor.u32 $0x40, s17  }
0x34: {  	s16 =	smul.u32 $0x10200, s16;
	v0 =	vld [tilespmem:s18+$0x30]  }
0x35: {  	v3 =	vld [tilespmem:s18+$0xFFFFFFD0]  }
0x36: {  	s16 =	sshrl.u32 s16, $0x2;
	v4 =	vld [tilespmem:s18+$0xFFFFFFE0]  }
0x37: {  	v5 =	vld [tilespmem:s18+$0xFFFFFFF0];
	s17 =	sor.u32 $0x8000, s16  }
0x38: {  	s31 =	sand.u32 $0x1, s12;
	v1 =	vld [tilespmem:s18+$0x0];
	s19 =	sadd.s32 $0x0, s17  }
0x39: {  	v2 =	vld [tilespmem:s18+$0x10];
	s16 =	smul.u32 $0x10200, s31;
	[tilespmem:s19+$0x3870 ss:$0x81] =	vst.msk $0xffff, v0  }
0x3a: {  	[tilespmem:s19+$0x810 ss:$0x81] =	vst.msk $0xffff, v3;
	v3 =	vld [tilespmem:s18+$0x20]  }
0x3b: {  	s16 =	sshrl.u32 s16, $0x2;
	v0 =	vld [tilespmem:s18+$0xFFFFFFC0];
	[tilespmem:s19+$0x1020 ss:$0x81] =	vst.msk $0xffff, v4;
	s18 =	sadd.s32 $0x80, s18  }
0x3c: {  	s20 =	simm.s32 $0x4;
	s21 =	simm.s32 $0x8;
	s16 =	sor.u32 $0x8000, s16;
	[tilespmem:s19+$0x1830 ss:$0x81] =	vst.msk $0xffff, v5;
	v4 =	vld [tilespmem:s18+$0x30]  }
.LBB1_3:
0x3d: {  	p1 =	sne.s32 s21, $0x1FC;
	v5 =	vld [tilespmem:s18+$0xFFFFFFD0];
	[tilespmem:s19+$0x2040 ss:$0x81] =	vst.msk $0xffff, v1  }
0x3e: {  	v6 =	vld [tilespmem:s18+$0xFFFFFFE0];
	[tilespmem:s19+$0x2850 ss:$0x81] =	vst.msk $0xffff, v2  }
0x3f: {  	s22 =	sshra.s32 s20, $0x2;
	s20 =	smov.u32 s21;
	v7 =	vld [tilespmem:s18+$0xFFFFFFF0];
	[tilespmem:s19+$0x3060 ss:$0x81] =	vst.msk $0xffff, v3  }
.Ltmp3:
0x40: {  	v1 =	vld [tilespmem:s18+$0x0];
	[tilespmem:s19+$0x0 ss:$0x81] =	vst.msk $0xffff, v0;
	s19 =	sadd.s32 s22, s17;
	(pc) =	sbr.rel @p1 .LBB1_3-.Ltmp3, $4  }
0x41: {  	v2 =	vld [tilespmem:s18+$0x10];
	[tilespmem:s19+$0x3870 ss:$0x81] =	vst.msk $0xffff, v4  }
0x42: {  	[tilespmem:s19+$0x810 ss:$0x81] =	vst.msk $0xffff, v5;
	v3 =	vld [tilespmem:s18+$0x20]  }
0x43: {  	v0 =	vld [tilespmem:s18+$0xFFFFFFC0];
	[tilespmem:s19+$0x1020 ss:$0x81] =	vst.msk $0xffff, v6;
	s18 =	sadd.s32 $0x80, s18  }
0x44: {  	s21 =	sadd.s32 $0x4, s21;
	v4 =	vld [tilespmem:s18+$0x30];
	[tilespmem:s19+$0x1830 ss:$0x81] =	vst.msk $0xffff, v7  }
.Ltmp4:
0x45: {  	_ = 	snop;
	(pc) =	sbr.rel .LBB1_4-.Ltmp4, $1  }
0x46: {  	_ =	sdelay $0x3  }
.LBB1_6:
0x47: {  	_ =	sfence.sel $0x180000  }
0x48: {  	s1 =	simm.s32 $0x1;
	[bflag:$0x0] =	sbarrier.arrive $0xFFFF  }
0x49: {  	s31 =	simm.s32 $0x2;
	[sflag:s1] =	ssyncpa.u1 $0x1  }
0x4a: {  	[sflag:s31] =	ssyncpa.u1 $0x1  }
0x4b: {  	p0 =	sne.s32 s3, $0x0;
	_ =	strace $0x90000047  }
0x4c: {  	s0 =	sadd.s32 @!p0 $0x100000, s0;
	[bflag:$0x2] =	sbarrier.arrive $0xFFFF  }
0x4d: {  	[sflag:s0] =	ssyncadd.tile.s32 @!p0 $0x1;
	_ =	shalt  }
.Lfunc_end1:
_tile_overlayer_lowered:
.L_overlay_start_2:
0x4e: {  	(tag) =	ssettag $0x2  }
0x4f: {  	s0 =	rddreg [dreg:$0x0];
	s2 =	stileid.u32  }
0x50: {  	s1 =	rddreg [dreg:$0x1];
	p0 =	sne.s32 s2, $0x0  }
0x51: {  	s3 =	rddreg [dreg:$0x2];
	[bflag:$0x3] =	sbarrier.arrive $0xFFFF;
	s2 =	simm.s32 @!p0 $0x1C01  }
0x52: {  	[timem:s3], [sflag:s2] =	dma.local @!p0 [hbm:s0], s1  }
0x53: {  	s0 =	simm.s32 @!p0 $0x1  }
0x54: {  	_ =	swait.ge @!p0 [sflag:s0], s1  }
0x55: {  	s1 =	ssub.s32 @!p0 $0x0, s1;
	[sflag:s0] =	ssyncset.done @!p0 $0x0  }
0x56: {  	[sflag:s0] =	ssyncadd.s32 @!p0 s1  }
0x57: {  	[bflag:$0x3] =	sbarrier.arrive $0xFFFF  }
0x58: {  	_ =	shalt  }

</sc_bundles>
